<compile_context>
chip_gen: v7x
topology: tpu7x:2x2x1
jax: 0.10.2.dev20260603
libtpu: 0.0.44.dev20260713+nightly
codegen_flags: <defaults>
</compile_context>

<pallas_src>
import functools

import jax
import jax.numpy as jnp
from jax import lax
from jax.experimental import pallas as pl
from jax.experimental.pallas import tpu as pltpu
from jax.experimental.pallas import tpu_sc as plsc

N = 10000
E = 160000
D = 512
DS = 128
NSLAB = D // DS
NC, NS = 2, 16
CHUNK = 128
NCHUNKS = E // CHUNK
NCHP = 1280
E_PAD = NCHP * CHUNK
NP = N + 128
AGG_NLOC = NCHP // NS
DEG_NLOC = NCHP // (NC * NS)
ZROWS = N // NS
BM = 1000
NBUF = 2
AGG_HALF = AGG_NLOC // 2
DEG_RING = 8


def _sc_degree(dst2d, ones_src, zeros_src):
    mesh = plsc.VectorSubcoreMesh(core_axis_name="c", subcore_axis_name="s")

    @functools.partial(
        pl.kernel,
        mesh=mesh,
        out_type=jax.ShapeDtypeStruct((NC, NS, ZROWS, DS), jnp.float32),
        scratch_types=[
            pltpu.VMEM((DEG_NLOC, CHUNK), jnp.int32),
            pltpu.VMEM((CHUNK, DS), jnp.float32),
            pltpu.VMEM_SHARED((NP, DS), jnp.float32),
        ]
        + [pltpu.SemaphoreType.DMA] * DEG_RING,
    )
    def k(dst_hbm, ones_hbm, zeros_hbm, out_hbm, di_all, ones_v, acc_sh, *sems):
        c = lax.axis_index("c")
        s = lax.axis_index("s")
        pltpu.sync_copy(ones_hbm, ones_v)
        pltpu.sync_copy(
            dst_hbm.at[pl.ds((c * NS + s) * DEG_NLOC, DEG_NLOC)], di_all)
        pltpu.sync_copy(zeros_hbm, acc_sh.at[pl.ds(s * ZROWS, ZROWS)])
        plsc.subcore_barrier()

        @pl.loop(0, DEG_NLOC // DEG_RING)
        def _(t):
            hs = []
            for bq in range(DEG_RING):
                hs.append(pltpu.async_copy(
                    ones_v, acc_sh.at[di_all.at[t * DEG_RING + bq]],
                    sems[bq], add=True))
            for bq in range(DEG_RING):
                hs[bq].wait()

        plsc.subcore_barrier()
        pltpu.sync_copy(acc_sh.at[pl.ds(s * ZROWS, ZROWS)], out_hbm.at[c, s])

    return k(dst2d, ones_src, zeros_src)


def _sc_aggregate(g4, src2d, dst2d, zeros_src):
    mesh = plsc.VectorSubcoreMesh(core_axis_name="c", subcore_axis_name="s")

    @functools.partial(
        pl.kernel,
        mesh=mesh,
        out_type=jax.ShapeDtypeStruct((NSLAB, NS, ZROWS, DS), jnp.float32),
        scratch_types=[
            pltpu.VMEM((CHUNK,), jnp.int32),
            pltpu.VMEM((CHUNK,), jnp.int32),
            pltpu.VMEM((CHUNK, DS), jnp.float32),
            pltpu.VMEM_SHARED((NP, DS), jnp.float32),
            pltpu.SemaphoreType.DMA,
        ],
    )
    def k(g_hbm, src_hbm, dst_hbm, z_hbm, out_hbm, si_v, di_v, rows_v, acc_sh, sem):
        c = lax.axis_index("c")
        s = lax.axis_index("s")
        for p in range(NSLAB // NC):
            slab = c * (NSLAB // NC) + p
            pltpu.sync_copy(z_hbm, acc_sh.at[pl.ds(s * ZROWS, ZROWS)])
            plsc.subcore_barrier()

            @pl.loop(0, NCHP // NS)
            def _(kk):
                lc = s + kk * NS

                @pl.when(lc < NCHUNKS)
                def _():
                    pltpu.sync_copy(src_hbm.at[lc], si_v)
                    pltpu.sync_copy(dst_hbm.at[lc], di_v)
                    pltpu.async_copy(g_hbm.at[slab].at[si_v], rows_v, sem).wait()
                    pltpu.sync_copy(rows_v, acc_sh.at[di_v], add=True)

            plsc.subcore_barrier()
            pltpu.sync_copy(acc_sh.at[pl.ds(s * ZROWS, ZROWS)], out_hbm.at[slab, s])
            plsc.subcore_barrier()

    return k(g4, src2d, dst2d, zeros_src)


def _tc_transform(x, W, degp):
    def body(x_ref, w_ref, da_ref, db_ref, g_ref, slh_ref):
        h = jnp.dot(x_ref[...], w_ref[...], preferred_element_type=jnp.float32)
        deg = 1.0 + da_ref[0, :, 0] + db_ref[0, :, 0]
        dis = lax.rsqrt(deg)[:, None]
        g = h * dis
        slh_ref[...] = g * dis
        for p in range(NSLAB):
            g_ref[p, :, :] = g[:, p * DS:(p + 1) * DS]

    return pl.pallas_call(
        body,
        grid=(N // BM,),
        in_specs=[
            pl.BlockSpec((BM, D), lambda i: (i, 0)),
            pl.BlockSpec((D, D), lambda i: (0, 0)),
            pl.BlockSpec((1, BM, DS), lambda i: (0, i, 0)),
            pl.BlockSpec((1, BM, DS), lambda i: (1, i, 0)),
        ],
        out_specs=[
            pl.BlockSpec((NSLAB, BM, DS), lambda i: (0, i, 0)),
            pl.BlockSpec((BM, D), lambda i: (i, 0)),
        ],
        out_shape=[
            jax.ShapeDtypeStruct((NSLAB, N, DS), jnp.float32),
            jax.ShapeDtypeStruct((N, D), jnp.float32),
        ],
    )(x, W, degp, degp)


def _tc_combine(acc4, slh, degp, b_row):
    def body(a_ref, slh_ref, da_ref, db_ref, b_ref, o_ref):
        deg = 1.0 + da_ref[0, :, 0] + db_ref[0, :, 0]
        dis = lax.rsqrt(deg)[:, None]
        acc = jnp.concatenate([a_ref[p] for p in range(NSLAB)], axis=1)
        o_ref[...] = acc * dis + slh_ref[...] + b_ref[...]

    return pl.pallas_call(
        body,
        grid=(N // BM,),
        in_specs=[
            pl.BlockSpec((NSLAB, BM, DS), lambda i: (0, i, 0)),
            pl.BlockSpec((BM, D), lambda i: (i, 0)),
            pl.BlockSpec((1, BM, DS), lambda i: (0, i, 0)),
            pl.BlockSpec((1, BM, DS), lambda i: (1, i, 0)),
            pl.BlockSpec((1, D), lambda i: (0, 0)),
        ],
        out_specs=pl.BlockSpec((BM, D), lambda i: (i, 0)),
        out_shape=jax.ShapeDtypeStruct((N, D), jnp.float32),
    )(acc4, slh, degp, degp, b_row)


def kernel(x, edge_index, W, b):
    src = edge_index[0].astype(jnp.int32)
    dst = edge_index[1].astype(jnp.int32)
    src2 = jnp.concatenate(
        [src, jnp.zeros((E_PAD - E,), jnp.int32)]).reshape(NCHP, CHUNK)
    pad_dst = N + (jnp.arange(E_PAD - E, dtype=jnp.int32) % 128)
    dst2 = jnp.concatenate([dst, pad_dst]).reshape(NCHP, CHUNK)
    ones_src = jnp.ones((CHUNK, DS), jnp.float32)
    zeros_rows = jnp.zeros((ZROWS, DS), jnp.float32)

    degp = _sc_degree(dst2, ones_src, zeros_rows).reshape(NC, N, DS)
    g4, slh = _tc_transform(x, W, degp)
    acc4 = _sc_aggregate(g4, src2, dst2, zeros_rows).reshape(NSLAB, N, DS)
    out = _tc_combine(acc4, slh, degp, b[None, :])
    return out

# --- scband reference (transcript-rebuilt; emitter-appended) ---
"""Pipeline reference for scband-gnn-88527865905157 (READ-ONLY COPY).

The authoritative reference and input builder live on the scoring server;
editing this copy changes nothing except your own understanding.
"""

import jax, jax.numpy as jnp
import numpy as np

N_NODES = 10000
N_EDGES = 160000
D_IN = 512
D_OUT = 512


def setup_inputs(seed: int = 0) -> dict:
    key = jax.random.key(seed)
    k1, k2, k3, k4 = jax.random.split(key, 4)
    x = jax.random.normal(k1, (N_NODES, D_IN), dtype=jnp.float32)
    edge_index = jax.random.randint(k2, (2, N_EDGES), 0, N_NODES, dtype=jnp.int64)
    # GCNConv learned params (glorot-style init for weight, zeros for bias)
    scale = float(np.sqrt(6.0 / (D_IN + D_OUT)))
    W = jax.random.uniform(k3, (D_IN, D_OUT), dtype=jnp.float32, minval=-scale, maxval=scale)
    b = jnp.zeros((D_OUT,), dtype=jnp.float32)
    return {"x": x, "edge_index": edge_index, "W": W, "b": b}


def reference(x, edge_index, W, b):
    # Faithful GCNConv (PyG semantics): add self-loops, symmetric normalization,
    # linear transform, scatter-add aggregation to dst nodes, plus bias.
    N = x.shape[0]
    loop = jnp.arange(N, dtype=edge_index.dtype)
    src = jnp.concatenate([edge_index[0], loop])
    dst = jnp.concatenate([edge_index[1], loop])
    # linear transform first (as in PyG GCNConv)
    h = x @ W
    # degree computed on dst with unit edge weights (incl. self-loops)
    deg = jnp.zeros((N,), dtype=h.dtype).at[dst].add(1.0)
    deg_inv_sqrt = jnp.where(deg > 0, jax.lax.rsqrt(deg), 0.0)
    norm = deg_inv_sqrt[src] * deg_inv_sqrt[dst]
    msgs = norm[:, None] * jnp.take(h, src, axis=0)
    out = jnp.zeros((N, h.shape[1]), dtype=h.dtype).at[dst].add(msgs)
    return out + b

if __name__ == "__main__":
    import jax
    _d = setup_inputs()
    print(jax.jit(kernel)(*tuple(_d.values())))

</pallas_src>

<mosaic_0001>
#map = affine_map<(d0, d1) -> (0, 0, 0)>
#map1 = affine_map<(d0, d1) -> (0, 0)>
#map2 = affine_map<(d0, d1) -> (0, 0, 0, 0)>
module attributes {stable_mosaic.version = 14 : i64} {
  func.func @k(%arg0: i32, %arg1: i32, %arg2: memref<4x10000x128xf32, #tpu.memory_space<hbm>>, %arg3: memref<1280x128xi32, #tpu.memory_space<hbm>>, %arg4: memref<1280x128xi32, #tpu.memory_space<hbm>>, %arg5: memref<625x128xf32, #tpu.memory_space<hbm>>, %arg6: memref<4x16x625x128xf32, #tpu.memory_space<hbm>>, %arg7: memref<128xi32, #tpu.memory_space<vmem>>, %arg8: memref<128xi32, #tpu.memory_space<vmem>>, %arg9: memref<128x128xf32, #tpu.memory_space<vmem>>, %arg10: memref<10128x128xf32, #tpu.memory_space<vmem_shared>>, %arg11: memref<!tpu.dma_semaphore, #tpu.memory_space<semaphore_mem>>) attributes {dimension_semantics = [#tpu.dimension_semantics<core_parallel>, #tpu.dimension_semantics<subcore_parallel>], iteration_bounds = array<i64: 2, 16>, scalar_prefetch = 0 : i64, scratch_operands = 5 : i64, tpu.core_type = #tpu.core_type<sc_vector_subcore>, window_params = [{transform_indices = #map}, {transform_indices = #map1}, {transform_indices = #map1}, {transform_indices = #map1}, {transform_indices = #map2}]} {
    %mul3A = arith.constant 2 : i32
    %mul3A_0 = arith.muli %arg0, %mul3A : i32
    %add3A = arith.constant 0 : i32
    %add3A_1 = arith.addi %mul3A_0, %add3A : i32
    %mul3A_2 = arith.constant 625 : i32
    %mul3A_3 = arith.muli %arg1, %mul3A_2 : i32
    "tpu.region"() ({
      %run_scoped3A = tpu.sem_alloc : memref<!tpu.dma_semaphore, #tpu.memory_space<semaphore_mem>>
      %dma_start3A = arith.constant 0 : i32
      %dma_start3A_28 = tpu.memref_slice %arg10[%mul3A_3, %dma_start3A] : memref<10128x128xf32, #tpu.memory_space<vmem_shared>> -> memref<625x128xf32, #tpu.memory_space<vmem_shared>>
      tpu.enqueue_dma source(%arg5 : memref<625x128xf32, #tpu.memory_space<hbm>>) target(%dma_start3A_28 : memref<625x128xf32, #tpu.memory_space<vmem_shared>>) target_semaphore(%run_scoped3A : memref<!tpu.dma_semaphore, #tpu.memory_space<semaphore_mem>>)
      %dma_wait3A = arith.constant 0 : i32
      %dma_wait3A_29 = tpu.memref_slice %arg10[%mul3A_3, %dma_wait3A] : memref<10128x128xf32, #tpu.memory_space<vmem_shared>> -> memref<625x128xf32, #tpu.memory_space<vmem_shared>>
      tpu.wait_dma2 semaphore(%run_scoped3A : memref<!tpu.dma_semaphore, #tpu.memory_space<semaphore_mem>>) src(%arg5 : memref<625x128xf32, #tpu.memory_space<hbm>>) dst(%dma_wait3A_29 : memref<625x128xf32, #tpu.memory_space<vmem_shared>>)
      tpu.yield
    }) : () -> ()
    %barrier3A = arith.constant 0 : index
    tpu.barrier barrier_id(%barrier3A)
    %scan3A = arith.constant 0 : i32
    %scan3A_4 = arith.constant 80 : i32
    %scan3A_5 = arith.addi %scan3A, %scan3A_4 : i32
    %scan3A_6 = arith.constant 1 : i32
    scf.for %scan3A_28 = %scan3A to %scan3A_5 step %scan3A_6  : i32 {
      %mul3A_29 = arith.constant 1 : i32
      %mul3A_30 = arith.muli %scan3A_28, %mul3A_29 : i32
      %add3A_31 = arith.constant 0 : i32
      %add3A_32 = arith.addi %add3A_31, %mul3A_30 : i32
      %mul3A_33 = arith.constant 16 : i32
      %mul3A_34 = arith.muli %add3A_32, %mul3A_33 : i32
      %add3A_35 = arith.addi %arg1, %mul3A_34 : i32
      %lt3A = arith.constant 1250 : i32
      %lt3A_36 = arith.cmpi slt, %add3A_35, %lt3A : i32
      %convert_element_type3A = arith.extui %lt3A_36 : i1 to i32
      %cond3A = arith.constant 0 : i32
      %cond3A_37 = arith.cmpi ne, %convert_element_type3A, %cond3A : i32
      scf.if %cond3A_37 {
        "tpu.region"() ({
          %run_scoped3A = tpu.sem_alloc : memref<!tpu.dma_semaphore, #tpu.memory_space<semaphore_mem>>
          %dma_start3A_50 = arith.constant 0 : i32
          %dma_start3A_51 = tpu.memref_slice %arg3[%add3A_35, %dma_start3A_50] : memref<1280x128xi32, #tpu.memory_space<hbm>> -> memref<1x128xi32, #tpu.memory_space<hbm>>
          %dma_start3A_52 = tpu.memref_squeeze %dma_start3A_51 : memref<1x128xi32, #tpu.memory_space<hbm>> -> memref<128xi32, #tpu.memory_space<hbm>>
          %dma_start3A_53 = arith.constant 0 : i32
          %dma_start3A_54 = tpu.memref_slice %arg3[%add3A_35, %dma_start3A_53] : memref<1280x128xi32, #tpu.memory_space<hbm>> -> memref<1x128xi32, #tpu.memory_space<hbm>>
          %dma_start3A_55 = tpu.memref_squeeze %dma_start3A_54 : memref<1x128xi32, #tpu.memory_space<hbm>> -> memref<128xi32, #tpu.memory_space<hbm>>
          tpu.enqueue_dma source(%dma_start3A_55 : memref<128xi32, #tpu.memory_space<hbm>>) target(%arg7 : memref<128xi32, #tpu.memory_space<vmem>>) target_semaphore(%run_scoped3A : memref<!tpu.dma_semaphore, #tpu.memory_space<semaphore_mem>>)
          %dma_wait3A_56 = arith.constant 0 : i32
          %dma_wait3A_57 = tpu.memref_slice %arg3[%add3A_35, %dma_wait3A_56] : memref<1280x128xi32, #tpu.memory_space<hbm>> -> memref<1x128xi32, #tpu.memory_space<hbm>>
          %dma_wait3A_58 = tpu.memref_squeeze %dma_wait3A_57 : memref<1x128xi32, #tpu.memory_space<hbm>> -> memref<128xi32, #tpu.memory_space<hbm>>
          %dma_wait3A_59 = arith.constant 0 : i32
          %dma_wait3A_60 = tpu.memref_slice %arg3[%add3A_35, %dma_wait3A_59] : memref<1280x128xi32, #tpu.memory_space<hbm>> -> memref<1x128xi32, #tpu.memory_space<hbm>>
          %dma_wait3A_61 = tpu.memref_squeeze %dma_wait3A_60 : memref<1x128xi32, #tpu.memory_space<hbm>> -> memref<128xi32, #tpu.memory_space<hbm>>
          tpu.wait_dma2 semaphore(%run_scoped3A : memref<!tpu.dma_semaphore, #tpu.memory_space<semaphore_mem>>) src(%dma_wait3A_61 : memref<128xi32, #tpu.memory_space<hbm>>) dst(%arg7 : memref<128xi32, #tpu.memory_space<vmem>>)
          tpu.yield
        }) : () -> ()
        "tpu.region"() ({
          %run_scoped3A = tpu.sem_alloc : memref<!tpu.dma_semaphore, #tpu.memory_space<semaphore_mem>>
          %dma_start3A_50 = arith.constant 0 : i32
          %dma_start3A_51 = tpu.memref_slice %arg4[%add3A_35, %dma_start3A_50] : memref<1280x128xi32, #tpu.memory_space<hbm>> -> memref<1x128xi32, #tpu.memory_space<hbm>>
          %dma_start3A_52 = tpu.memref_squeeze %dma_start3A_51 : memref<1x128xi32, #tpu.memory_space<hbm>> -> memref<128xi32, #tpu.memory_space<hbm>>
          %dma_start3A_53 = arith.constant 0 : i32
          %dma_start3A_54 = tpu.memref_slice %arg4[%add3A_35, %dma_start3A_53] : memref<1280x128xi32, #tpu.memory_space<hbm>> -> memref<1x128xi32, #tpu.memory_space<hbm>>
          %dma_start3A_55 = tpu.memref_squeeze %dma_start3A_54 : memref<1x128xi32, #tpu.memory_space<hbm>> -> memref<128xi32, #tpu.memory_space<hbm>>
          tpu.enqueue_dma source(%dma_start3A_55 : memref<128xi32, #tpu.memory_space<hbm>>) target(%arg8 : memref<128xi32, #tpu.memory_space<vmem>>) target_semaphore(%run_scoped3A : memref<!tpu.dma_semaphore, #tpu.memory_space<semaphore_mem>>)
          %dma_wait3A_56 = arith.constant 0 : i32
          %dma_wait3A_57 = tpu.memref_slice %arg4[%add3A_35, %dma_wait3A_56] : memref<1280x128xi32, #tpu.memory_space<hbm>> -> memref<1x128xi32, #tpu.memory_space<hbm>>
          %dma_wait3A_58 = tpu.memref_squeeze %dma_wait3A_57 : memref<1x128xi32, #tpu.memory_space<hbm>> -> memref<128xi32, #tpu.memory_space<hbm>>
          %dma_wait3A_59 = arith.constant 0 : i32
          %dma_wait3A_60 = tpu.memref_slice %arg4[%add3A_35, %dma_wait3A_59] : memref<1280x128xi32, #tpu.memory_space<hbm>> -> memref<1x128xi32, #tpu.memory_space<hbm>>
          %dma_wait3A_61 = tpu.memref_squeeze %dma_wait3A_60 : memref<1x128xi32, #tpu.memory_space<hbm>> -> memref<128xi32, #tpu.memory_space<hbm>>
          tpu.wait_dma2 semaphore(%run_scoped3A : memref<!tpu.dma_semaphore, #tpu.memory_space<semaphore_mem>>) src(%dma_wait3A_61 : memref<128xi32, #tpu.memory_space<hbm>>) dst(%arg8 : memref<128xi32, #tpu.memory_space<vmem>>)
          tpu.yield
        }) : () -> ()
        %dma_start3A = arith.constant 0 : i32
        %dma_start3A_38 = arith.constant 0 : i32
        %dma_start3A_39 = tpu.memref_slice %arg2[%add3A_1, %dma_start3A, %dma_start3A_38] : memref<4x10000x128xf32, #tpu.memory_space<hbm>> -> memref<1x10000x128xf32, #tpu.memory_space<hbm>>
        %dma_start3A_40 = tpu.memref_squeeze %dma_start3A_39 : memref<1x10000x128xf32, #tpu.memory_space<hbm>> -> memref<10000x128xf32, #tpu.memory_space<hbm>>
        %dma_start3A_41 = arith.constant 0 : i32
        %dma_start3A_42 = arith.constant 0 : i32
        %dma_start3A_43 = tpu.memref_slice %dma_start3A_40[%dma_start3A_41, %dma_start3A_42] : memref<10000x128xf32, #tpu.memory_space<hbm>> -> memref<10000x128xf32, #tpu.memory_space<hbm>>
        tpu.enqueue_indirect_dma source(%dma_start3A_43 : memref<10000x128xf32, #tpu.memory_space<hbm>>) target(%arg9 : memref<128x128xf32, #tpu.memory_space<vmem>>) offsets(%arg7 : memref<128xi32, #tpu.memory_space<vmem>>) semaphore(%arg11 : memref<!tpu.dma_semaphore, #tpu.memory_space<semaphore_mem>>)
        %dma_wait3A = arith.constant 0 : i32
        %dma_wait3A_44 = arith.constant 0 : i32
        %dma_wait3A_45 = tpu.memref_slice %arg2[%add3A_1, %dma_wait3A, %dma_wait3A_44] : memref<4x10000x128xf32, #tpu.memory_space<hbm>> -> memref<1x10000x128xf32, #tpu.memory_space<hbm>>
        %dma_wait3A_46 = tpu.memref_squeeze %dma_wait3A_45 : memref<1x10000x128xf32, #tpu.memory_space<hbm>> -> memref<10000x128xf32, #tpu.memory_space<hbm>>
        %dma_wait3A_47 = arith.constant 0 : i32
        %dma_wait3A_48 = arith.constant 0 : i32
        %dma_wait3A_49 = tpu.memref_slice %dma_wait3A_46[%dma_wait3A_47, %dma_wait3A_48] : memref<10000x128xf32, #tpu.memory_space<hbm>> -> memref<10000x128xf32, #tpu.memory_space<hbm>>
        tpu.wait_indirect_dma semaphore(%arg11 : memref<!tpu.dma_semaphore, #tpu.memory_space<semaphore_mem>>) src(%dma_wait3A_49 : memref<10000x128xf32, #tpu.memory_space<hbm>>) dst(%arg9 : memref<128x128xf32, #tpu.memory_space<vmem>>)
        "tpu.region"() ({
          %run_scoped3A = tpu.sem_alloc : memref<!tpu.dma_semaphore, #tpu.memory_space<semaphore_mem>>
          %dma_start3A_50 = arith.constant 0 : i32
          %dma_start3A_51 = arith.constant 0 : i32
          %dma_start3A_52 = tpu.memref_slice %arg10[%dma_start3A_50, %dma_start3A_51] : memref<10128x128xf32, #tpu.memory_space<vmem_shared>> -> memref<10128x128xf32, #tpu.memory_space<vmem_shared>>
          tpu.enqueue_indirect_dma source(%arg9 : memref<128x128xf32, #tpu.memory_space<vmem>>) target(%dma_start3A_52 : memref<10128x128xf32, #tpu.memory_space<vmem_shared>>) offsets(%arg8 : memref<128xi32, #tpu.memory_space<vmem>>) semaphore(%run_scoped3A : memref<!tpu.dma_semaphore, #tpu.memory_space<semaphore_mem>>) {add = true}
          %dma_wait3A_53 = arith.constant 0 : i32
          %dma_wait3A_54 = arith.constant 0 : i32
          %dma_wait3A_55 = tpu.memref_slice %arg10[%dma_wait3A_53, %dma_wait3A_54] : memref<10128x128xf32, #tpu.memory_space<vmem_shared>> -> memref<10128x128xf32, #tpu.memory_space<vmem_shared>>
          tpu.wait_indirect_dma semaphore(%run_scoped3A : memref<!tpu.dma_semaphore, #tpu.memory_space<semaphore_mem>>) src(%arg9 : memref<128x128xf32, #tpu.memory_space<vmem>>) dst(%dma_wait3A_55 : memref<10128x128xf32, #tpu.memory_space<vmem_shared>>)
          tpu.yield
        }) : () -> ()
      } else {
      }
    }
    %scan3A_7 = arith.constant 80 : i32
    %barrier3A_8 = arith.constant 0 : index
    tpu.barrier barrier_id(%barrier3A_8)
    %mul3A_9 = arith.constant 625 : i32
    %mul3A_10 = arith.muli %arg1, %mul3A_9 : i32
    "tpu.region"() ({
      %run_scoped3A = tpu.sem_alloc : memref<!tpu.dma_semaphore, #tpu.memory_space<semaphore_mem>>
      %dma_start3A = arith.constant 0 : i32
      %dma_start3A_28 = arith.constant 0 : i32
      %dma_start3A_29 = tpu.memref_slice %arg6[%add3A_1, %arg1, %dma_start3A, %dma_start3A_28] : memref<4x16x625x128xf32, #tpu.memory_space<hbm>> -> memref<1x1x625x128xf32, #tpu.memory_space<hbm>>
      %dma_start3A_30 = tpu.memref_squeeze %dma_start3A_29 : memref<1x1x625x128xf32, #tpu.memory_space<hbm>> -> memref<625x128xf32, #tpu.memory_space<hbm>>
      %dma_start3A_31 = arith.constant 0 : i32
      %dma_start3A_32 = tpu.memref_slice %arg10[%mul3A_10, %dma_start3A_31] : memref<10128x128xf32, #tpu.memory_space<vmem_shared>> -> memref<625x128xf32, #tpu.memory_space<vmem_shared>>
      tpu.enqueue_dma source(%dma_start3A_32 : memref<625x128xf32, #tpu.memory_space<vmem_shared>>) target(%dma_start3A_30 : memref<625x128xf32, #tpu.memory_space<hbm>>) target_semaphore(%run_scoped3A : memref<!tpu.dma_semaphore, #tpu.memory_space<semaphore_mem>>)
      %dma_wait3A = arith.constant 0 : i32
      %dma_wait3A_33 = arith.constant 0 : i32
      %dma_wait3A_34 = tpu.memref_slice %arg6[%add3A_1, %arg1, %dma_wait3A, %dma_wait3A_33] : memref<4x16x625x128xf32, #tpu.memory_space<hbm>> -> memref<1x1x625x128xf32, #tpu.memory_space<hbm>>
      %dma_wait3A_35 = tpu.memref_squeeze %dma_wait3A_34 : memref<1x1x625x128xf32, #tpu.memory_space<hbm>> -> memref<625x128xf32, #tpu.memory_space<hbm>>
      %dma_wait3A_36 = arith.constant 0 : i32
      %dma_wait3A_37 = tpu.memref_slice %arg10[%mul3A_10, %dma_wait3A_36] : memref<10128x128xf32, #tpu.memory_space<vmem_shared>> -> memref<625x128xf32, #tpu.memory_space<vmem_shared>>
      tpu.wait_dma2 semaphore(%run_scoped3A : memref<!tpu.dma_semaphore, #tpu.memory_space<semaphore_mem>>) src(%dma_wait3A_37 : memref<625x128xf32, #tpu.memory_space<vmem_shared>>) dst(%dma_wait3A_35 : memref<625x128xf32, #tpu.memory_space<hbm>>)
      tpu.yield
    }) : () -> ()
    %barrier3A_11 = arith.constant 0 : index
    tpu.barrier barrier_id(%barrier3A_11)
    %mul3A_12 = arith.constant 2 : i32
    %mul3A_13 = arith.muli %arg0, %mul3A_12 : i32
    %add3A_14 = arith.constant 1 : i32
    %add3A_15 = arith.addi %mul3A_13, %add3A_14 : i32
    %mul3A_16 = arith.constant 625 : i32
    %mul3A_17 = arith.muli %arg1, %mul3A_16 : i32
    "tpu.region"() ({
      %run_scoped3A = tpu.sem_alloc : memref<!tpu.dma_semaphore, #tpu.memory_space<semaphore_mem>>
      %dma_start3A = arith.constant 0 : i32
      %dma_start3A_28 = tpu.memref_slice %arg10[%mul3A_17, %dma_start3A] : memref<10128x128xf32, #tpu.memory_space<vmem_shared>> -> memref<625x128xf32, #tpu.memory_space<vmem_shared>>
      tpu.enqueue_dma source(%arg5 : memref<625x128xf32, #tpu.memory_space<hbm>>) target(%dma_start3A_28 : memref<625x128xf32, #tpu.memory_space<vmem_shared>>) target_semaphore(%run_scoped3A : memref<!tpu.dma_semaphore, #tpu.memory_space<semaphore_mem>>)
      %dma_wait3A = arith.constant 0 : i32
      %dma_wait3A_29 = tpu.memref_slice %arg10[%mul3A_17, %dma_wait3A] : memref<10128x128xf32, #tpu.memory_space<vmem_shared>> -> memref<625x128xf32, #tpu.memory_space<vmem_shared>>
      tpu.wait_dma2 semaphore(%run_scoped3A : memref<!tpu.dma_semaphore, #tpu.memory_space<semaphore_mem>>) src(%arg5 : memref<625x128xf32, #tpu.memory_space<hbm>>) dst(%dma_wait3A_29 : memref<625x128xf32, #tpu.memory_space<vmem_shared>>)
      tpu.yield
    }) : () -> ()
    %barrier3A_18 = arith.constant 0 : index
    tpu.barrier barrier_id(%barrier3A_18)
    %scan3A_19 = arith.constant 0 : i32
    %scan3A_20 = arith.constant 80 : i32
    %scan3A_21 = arith.addi %scan3A_19, %scan3A_20 : i32
    %scan3A_22 = arith.constant 1 : i32
    scf.for %scan3A_28 = %scan3A_19 to %scan3A_21 step %scan3A_22  : i32 {
      %mul3A_29 = arith.constant 1 : i32
      %mul3A_30 = arith.muli %scan3A_28, %mul3A_29 : i32
      %add3A_31 = arith.constant 0 : i32
      %add3A_32 = arith.addi %add3A_31, %mul3A_30 : i32
      %mul3A_33 = arith.constant 16 : i32
      %mul3A_34 = arith.muli %add3A_32, %mul3A_33 : i32
      %add3A_35 = arith.addi %arg1, %mul3A_34 : i32
      %lt3A = arith.constant 1250 : i32
      %lt3A_36 = arith.cmpi slt, %add3A_35, %lt3A : i32
      %convert_element_type3A = arith.extui %lt3A_36 : i1 to i32
      %cond3A = arith.constant 0 : i32
      %cond3A_37 = arith.cmpi ne, %convert_element_type3A, %cond3A : i32
      scf.if %cond3A_37 {
        "tpu.region"() ({
          %run_scoped3A = tpu.sem_alloc : memref<!tpu.dma_semaphore, #tpu.memory_space<semaphore_mem>>
          %dma_start3A_50 = arith.constant 0 : i32
          %dma_start3A_51 = tpu.memref_slice %arg3[%add3A_35, %dma_start3A_50] : memref<1280x128xi32, #tpu.memory_space<hbm>> -> memref<1x128xi32, #tpu.memory_space<hbm>>
          %dma_start3A_52 = tpu.memref_squeeze %dma_start3A_51 : memref<1x128xi32, #tpu.memory_space<hbm>> -> memref<128xi32, #tpu.memory_space<hbm>>
          %dma_start3A_53 = arith.constant 0 : i32
          %dma_start3A_54 = tpu.memref_slice %arg3[%add3A_35, %dma_start3A_53] : memref<1280x128xi32, #tpu.memory_space<hbm>> -> memref<1x128xi32, #tpu.memory_space<hbm>>
          %dma_start3A_55 = tpu.memref_squeeze %dma_start3A_54 : memref<1x128xi32, #tpu.memory_space<hbm>> -> memref<128xi32, #tpu.memory_space<hbm>>
          tpu.enqueue_dma source(%dma_start3A_55 : memref<128xi32, #tpu.memory_space<hbm>>) target(%arg7 : memref<128xi32, #tpu.memory_space<vmem>>) target_semaphore(%run_scoped3A : memref<!tpu.dma_semaphore, #tpu.memory_space<semaphore_mem>>)
          %dma_wait3A_56 = arith.constant 0 : i32
          %dma_wait3A_57 = tpu.memref_slice %arg3[%add3A_35, %dma_wait3A_56] : memref<1280x128xi32, #tpu.memory_space<hbm>> -> memref<1x128xi32, #tpu.memory_space<hbm>>
          %dma_wait3A_58 = tpu.memref_squeeze %dma_wait3A_57 : memref<1x128xi32, #tpu.memory_space<hbm>> -> memref<128xi32, #tpu.memory_space<hbm>>
          %dma_wait3A_59 = arith.constant 0 : i32
          %dma_wait3A_60 = tpu.memref_slice %arg3[%add3A_35, %dma_wait3A_59] : memref<1280x128xi32, #tpu.memory_space<hbm>> -> memref<1x128xi32, #tpu.memory_space<hbm>>
          %dma_wait3A_61 = tpu.memref_squeeze %dma_wait3A_60 : memref<1x128xi32, #tpu.memory_space<hbm>> -> memref<128xi32, #tpu.memory_space<hbm>>
          tpu.wait_dma2 semaphore(%run_scoped3A : memref<!tpu.dma_semaphore, #tpu.memory_space<semaphore_mem>>) src(%dma_wait3A_61 : memref<128xi32, #tpu.memory_space<hbm>>) dst(%arg7 : memref<128xi32, #tpu.memory_space<vmem>>)
          tpu.yield
        }) : () -> ()
        "tpu.region"() ({
          %run_scoped3A = tpu.sem_alloc : memref<!tpu.dma_semaphore, #tpu.memory_space<semaphore_mem>>
          %dma_start3A_50 = arith.constant 0 : i32
          %dma_start3A_51 = tpu.memref_slice %arg4[%add3A_35, %dma_start3A_50] : memref<1280x128xi32, #tpu.memory_space<hbm>> -> memref<1x128xi32, #tpu.memory_space<hbm>>
          %dma_start3A_52 = tpu.memref_squeeze %dma_start3A_51 : memref<1x128xi32, #tpu.memory_space<hbm>> -> memref<128xi32, #tpu.memory_space<hbm>>
          %dma_start3A_53 = arith.constant 0 : i32
          %dma_start3A_54 = tpu.memref_slice %arg4[%add3A_35, %dma_start3A_53] : memref<1280x128xi32, #tpu.memory_space<hbm>> -> memref<1x128xi32, #tpu.memory_space<hbm>>
          %dma_start3A_55 = tpu.memref_squeeze %dma_start3A_54 : memref<1x128xi32, #tpu.memory_space<hbm>> -> memref<128xi32, #tpu.memory_space<hbm>>
          tpu.enqueue_dma source(%dma_start3A_55 : memref<128xi32, #tpu.memory_space<hbm>>) target(%arg8 : memref<128xi32, #tpu.memory_space<vmem>>) target_semaphore(%run_scoped3A : memref<!tpu.dma_semaphore, #tpu.memory_space<semaphore_mem>>)
          %dma_wait3A_56 = arith.constant 0 : i32
          %dma_wait3A_57 = tpu.memref_slice %arg4[%add3A_35, %dma_wait3A_56] : memref<1280x128xi32, #tpu.memory_space<hbm>> -> memref<1x128xi32, #tpu.memory_space<hbm>>
          %dma_wait3A_58 = tpu.memref_squeeze %dma_wait3A_57 : memref<1x128xi32, #tpu.memory_space<hbm>> -> memref<128xi32, #tpu.memory_space<hbm>>
          %dma_wait3A_59 = arith.constant 0 : i32
          %dma_wait3A_60 = tpu.memref_slice %arg4[%add3A_35, %dma_wait3A_59] : memref<1280x128xi32, #tpu.memory_space<hbm>> -> memref<1x128xi32, #tpu.memory_space<hbm>>
          %dma_wait3A_61 = tpu.memref_squeeze %dma_wait3A_60 : memref<1x128xi32, #tpu.memory_space<hbm>> -> memref<128xi32, #tpu.memory_space<hbm>>
          tpu.wait_dma2 semaphore(%run_scoped3A : memref<!tpu.dma_semaphore, #tpu.memory_space<semaphore_mem>>) src(%dma_wait3A_61 : memref<128xi32, #tpu.memory_space<hbm>>) dst(%arg8 : memref<128xi32, #tpu.memory_space<vmem>>)
          tpu.yield
        }) : () -> ()
        %dma_start3A = arith.constant 0 : i32
        %dma_start3A_38 = arith.constant 0 : i32
        %dma_start3A_39 = tpu.memref_slice %arg2[%add3A_15, %dma_start3A, %dma_start3A_38] : memref<4x10000x128xf32, #tpu.memory_space<hbm>> -> memref<1x10000x128xf32, #tpu.memory_space<hbm>>
        %dma_start3A_40 = tpu.memref_squeeze %dma_start3A_39 : memref<1x10000x128xf32, #tpu.memory_space<hbm>> -> memref<10000x128xf32, #tpu.memory_space<hbm>>
        %dma_start3A_41 = arith.constant 0 : i32
        %dma_start3A_42 = arith.constant 0 : i32
        %dma_start3A_43 = tpu.memref_slice %dma_start3A_40[%dma_start3A_41, %dma_start3A_42] : memref<10000x128xf32, #tpu.memory_space<hbm>> -> memref<10000x128xf32, #tpu.memory_space<hbm>>
        tpu.enqueue_indirect_dma source(%dma_start3A_43 : memref<10000x128xf32, #tpu.memory_space<hbm>>) target(%arg9 : memref<128x128xf32, #tpu.memory_space<vmem>>) offsets(%arg7 : memref<128xi32, #tpu.memory_space<vmem>>) semaphore(%arg11 : memref<!tpu.dma_semaphore, #tpu.memory_space<semaphore_mem>>)
        %dma_wait3A = arith.constant 0 : i32
        %dma_wait3A_44 = arith.constant 0 : i32
        %dma_wait3A_45 = tpu.memref_slice %arg2[%add3A_15, %dma_wait3A, %dma_wait3A_44] : memref<4x10000x128xf32, #tpu.memory_space<hbm>> -> memref<1x10000x128xf32, #tpu.memory_space<hbm>>
        %dma_wait3A_46 = tpu.memref_squeeze %dma_wait3A_45 : memref<1x10000x128xf32, #tpu.memory_space<hbm>> -> memref<10000x128xf32, #tpu.memory_space<hbm>>
        %dma_wait3A_47 = arith.constant 0 : i32
        %dma_wait3A_48 = arith.constant 0 : i32
        %dma_wait3A_49 = tpu.memref_slice %dma_wait3A_46[%dma_wait3A_47, %dma_wait3A_48] : memref<10000x128xf32, #tpu.memory_space<hbm>> -> memref<10000x128xf32, #tpu.memory_space<hbm>>
        tpu.wait_indirect_dma semaphore(%arg11 : memref<!tpu.dma_semaphore, #tpu.memory_space<semaphore_mem>>) src(%dma_wait3A_49 : memref<10000x128xf32, #tpu.memory_space<hbm>>) dst(%arg9 : memref<128x128xf32, #tpu.memory_space<vmem>>)
        "tpu.region"() ({
          %run_scoped3A = tpu.sem_alloc : memref<!tpu.dma_semaphore, #tpu.memory_space<semaphore_mem>>
          %dma_start3A_50 = arith.constant 0 : i32
          %dma_start3A_51 = arith.constant 0 : i32
          %dma_start3A_52 = tpu.memref_slice %arg10[%dma_start3A_50, %dma_start3A_51] : memref<10128x128xf32, #tpu.memory_space<vmem_shared>> -> memref<10128x128xf32, #tpu.memory_space<vmem_shared>>
          tpu.enqueue_indirect_dma source(%arg9 : memref<128x128xf32, #tpu.memory_space<vmem>>) target(%dma_start3A_52 : memref<10128x128xf32, #tpu.memory_space<vmem_shared>>) offsets(%arg8 : memref<128xi32, #tpu.memory_space<vmem>>) semaphore(%run_scoped3A : memref<!tpu.dma_semaphore, #tpu.memory_space<semaphore_mem>>) {add = true}
          %dma_wait3A_53 = arith.constant 0 : i32
          %dma_wait3A_54 = arith.constant 0 : i32
          %dma_wait3A_55 = tpu.memref_slice %arg10[%dma_wait3A_53, %dma_wait3A_54] : memref<10128x128xf32, #tpu.memory_space<vmem_shared>> -> memref<10128x128xf32, #tpu.memory_space<vmem_shared>>
          tpu.wait_indirect_dma semaphore(%run_scoped3A : memref<!tpu.dma_semaphore, #tpu.memory_space<semaphore_mem>>) src(%arg9 : memref<128x128xf32, #tpu.memory_space<vmem>>) dst(%dma_wait3A_55 : memref<10128x128xf32, #tpu.memory_space<vmem_shared>>)
          tpu.yield
        }) : () -> ()
      } else {
      }
    }
    %scan3A_23 = arith.constant 80 : i32
    %barrier3A_24 = arith.constant 0 : index
    tpu.barrier barrier_id(%barrier3A_24)
    %mul3A_25 = arith.constant 625 : i32
    %mul3A_26 = arith.muli %arg1, %mul3A_25 : i32
    "tpu.region"() ({
      %run_scoped3A = tpu.sem_alloc : memref<!tpu.dma_semaphore, #tpu.memory_space<semaphore_mem>>
      %dma_start3A = arith.constant 0 : i32
      %dma_start3A_28 = arith.constant 0 : i32
      %dma_start3A_29 = tpu.memref_slice %arg6[%add3A_15, %arg1, %dma_start3A, %dma_start3A_28] : memref<4x16x625x128xf32, #tpu.memory_space<hbm>> -> memref<1x1x625x128xf32, #tpu.memory_space<hbm>>
      %dma_start3A_30 = tpu.memref_squeeze %dma_start3A_29 : memref<1x1x625x128xf32, #tpu.memory_space<hbm>> -> memref<625x128xf32, #tpu.memory_space<hbm>>
      %dma_start3A_31 = arith.constant 0 : i32
      %dma_start3A_32 = tpu.memref_slice %arg10[%mul3A_26, %dma_start3A_31] : memref<10128x128xf32, #tpu.memory_space<vmem_shared>> -> memref<625x128xf32, #tpu.memory_space<vmem_shared>>
      tpu.enqueue_dma source(%dma_start3A_32 : memref<625x128xf32, #tpu.memory_space<vmem_shared>>) target(%dma_start3A_30 : memref<625x128xf32, #tpu.memory_space<hbm>>) target_semaphore(%run_scoped3A : memref<!tpu.dma_semaphore, #tpu.memory_space<semaphore_mem>>)
      %dma_wait3A = arith.constant 0 : i32
      %dma_wait3A_33 = arith.constant 0 : i32
      %dma_wait3A_34 = tpu.memref_slice %arg6[%add3A_15, %arg1, %dma_wait3A, %dma_wait3A_33] : memref<4x16x625x128xf32, #tpu.memory_space<hbm>> -> memref<1x1x625x128xf32, #tpu.memory_space<hbm>>
      %dma_wait3A_35 = tpu.memref_squeeze %dma_wait3A_34 : memref<1x1x625x128xf32, #tpu.memory_space<hbm>> -> memref<625x128xf32, #tpu.memory_space<hbm>>
      %dma_wait3A_36 = arith.constant 0 : i32
      %dma_wait3A_37 = tpu.memref_slice %arg10[%mul3A_26, %dma_wait3A_36] : memref<10128x128xf32, #tpu.memory_space<vmem_shared>> -> memref<625x128xf32, #tpu.memory_space<vmem_shared>>
      tpu.wait_dma2 semaphore(%run_scoped3A : memref<!tpu.dma_semaphore, #tpu.memory_space<semaphore_mem>>) src(%dma_wait3A_37 : memref<625x128xf32, #tpu.memory_space<vmem_shared>>) dst(%dma_wait3A_35 : memref<625x128xf32, #tpu.memory_space<hbm>>)
      tpu.yield
    }) : () -> ()
    %barrier3A_27 = arith.constant 0 : index
    tpu.barrier barrier_id(%barrier3A_27)
    return
  }
}

#map = affine_map<(d0, d1) -> (0, 0)>
#map1 = affine_map<(d0, d1) -> (0, 0, 0, 0)>
module attributes {stable_mosaic.version = 14 : i64} {
  func.func @k(%arg0: i32, %arg1: i32, %arg2: memref<1280x128xi32, #tpu.memory_space<hbm>>, %arg3: memref<128x128xf32, #tpu.memory_space<hbm>>, %arg4: memref<625x128xf32, #tpu.memory_space<hbm>>, %arg5: memref<2x16x625x128xf32, #tpu.memory_space<hbm>>, %arg6: memref<40x128xi32, #tpu.memory_space<vmem>>, %arg7: memref<128x128xf32, #tpu.memory_space<vmem>>, %arg8: memref<10128x128xf32, #tpu.memory_space<vmem_shared>>, %arg9: memref<!tpu.dma_semaphore, #tpu.memory_space<semaphore_mem>>, %arg10: memref<!tpu.dma_semaphore, #tpu.memory_space<semaphore_mem>>, %arg11: memref<!tpu.dma_semaphore, #tpu.memory_space<semaphore_mem>>, %arg12: memref<!tpu.dma_semaphore, #tpu.memory_space<semaphore_mem>>, %arg13: memref<!tpu.dma_semaphore, #tpu.memory_space<semaphore_mem>>, %arg14: memref<!tpu.dma_semaphore, #tpu.memory_space<semaphore_mem>>, %arg15: memref<!tpu.dma_semaphore, #tpu.memory_space<semaphore_mem>>, %arg16: memref<!tpu.dma_semaphore, #tpu.memory_space<semaphore_mem>>) attributes {dimension_semantics = [#tpu.dimension_semantics<core_parallel>, #tpu.dimension_semantics<subcore_parallel>], iteration_bounds = array<i64: 2, 16>, scalar_prefetch = 0 : i64, scratch_operands = 11 : i64, tpu.core_type = #tpu.core_type<sc_vector_subcore>, window_params = [{transform_indices = #map}, {transform_indices = #map}, {transform_indices = #map}, {transform_indices = #map1}]} {
    "tpu.region"() ({
      %run_scoped3A = tpu.sem_alloc : memref<!tpu.dma_semaphore, #tpu.memory_space<semaphore_mem>>
      tpu.enqueue_dma source(%arg3 : memref<128x128xf32, #tpu.memory_space<hbm>>) target(%arg7 : memref<128x128xf32, #tpu.memory_space<vmem>>) target_semaphore(%run_scoped3A : memref<!tpu.dma_semaphore, #tpu.memory_space<semaphore_mem>>)
      tpu.wait_dma2 semaphore(%run_scoped3A : memref<!tpu.dma_semaphore, #tpu.memory_space<semaphore_mem>>) src(%arg3 : memref<128x128xf32, #tpu.memory_space<hbm>>) dst(%arg7 : memref<128x128xf32, #tpu.memory_space<vmem>>)
      tpu.yield
    }) : () -> ()
    %mul3A = arith.constant 16 : i32
    %mul3A_0 = arith.muli %arg0, %mul3A : i32
    %add3A = arith.addi %mul3A_0, %arg1 : i32
    %mul3A_1 = arith.constant 40 : i32
    %mul3A_2 = arith.muli %add3A, %mul3A_1 : i32
    "tpu.region"() ({
      %run_scoped3A = tpu.sem_alloc : memref<!tpu.dma_semaphore, #tpu.memory_space<semaphore_mem>>
      %dma_start3A = arith.constant 0 : i32
      %dma_start3A_12 = tpu.memref_slice %arg2[%mul3A_2, %dma_start3A] : memref<1280x128xi32, #tpu.memory_space<hbm>> -> memref<40x128xi32, #tpu.memory_space<hbm>>
      %dma_start3A_13 = arith.constant 0 : i32
      %dma_start3A_14 = tpu.memref_slice %arg2[%mul3A_2, %dma_start3A_13] : memref<1280x128xi32, #tpu.memory_space<hbm>> -> memref<40x128xi32, #tpu.memory_space<hbm>>
      tpu.enqueue_dma source(%dma_start3A_14 : memref<40x128xi32, #tpu.memory_space<hbm>>) target(%arg6 : memref<40x128xi32, #tpu.memory_space<vmem>>) target_semaphore(%run_scoped3A : memref<!tpu.dma_semaphore, #tpu.memory_space<semaphore_mem>>)
      %dma_wait3A = arith.constant 0 : i32
      %dma_wait3A_15 = tpu.memref_slice %arg2[%mul3A_2, %dma_wait3A] : memref<1280x128xi32, #tpu.memory_space<hbm>> -> memref<40x128xi32, #tpu.memory_space<hbm>>
      %dma_wait3A_16 = arith.constant 0 : i32
      %dma_wait3A_17 = tpu.memref_slice %arg2[%mul3A_2, %dma_wait3A_16] : memref<1280x128xi32, #tpu.memory_space<hbm>> -> memref<40x128xi32, #tpu.memory_space<hbm>>
      tpu.wait_dma2 semaphore(%run_scoped3A : memref<!tpu.dma_semaphore, #tpu.memory_space<semaphore_mem>>) src(%dma_wait3A_17 : memref<40x128xi32, #tpu.memory_space<hbm>>) dst(%arg6 : memref<40x128xi32, #tpu.memory_space<vmem>>)
      tpu.yield
    }) : () -> ()
    %mul3A_3 = arith.constant 625 : i32
    %mul3A_4 = arith.muli %arg1, %mul3A_3 : i32
    "tpu.region"() ({
      %run_scoped3A = tpu.sem_alloc : memref<!tpu.dma_semaphore, #tpu.memory_space<semaphore_mem>>
      %dma_start3A = arith.constant 0 : i32
      %dma_start3A_12 = tpu.memref_slice %arg8[%mul3A_4, %dma_start3A] : memref<10128x128xf32, #tpu.memory_space<vmem_shared>> -> memref<625x128xf32, #tpu.memory_space<vmem_shared>>
      tpu.enqueue_dma source(%arg4 : memref<625x128xf32, #tpu.memory_space<hbm>>) target(%dma_start3A_12 : memref<625x128xf32, #tpu.memory_space<vmem_shared>>) target_semaphore(%run_scoped3A : memref<!tpu.dma_semaphore, #tpu.memory_space<semaphore_mem>>)
      %dma_wait3A = arith.constant 0 : i32
      %dma_wait3A_13 = tpu.memref_slice %arg8[%mul3A_4, %dma_wait3A] : memref<10128x128xf32, #tpu.memory_space<vmem_shared>> -> memref<625x128xf32, #tpu.memory_space<vmem_shared>>
      tpu.wait_dma2 semaphore(%run_scoped3A : memref<!tpu.dma_semaphore, #tpu.memory_space<semaphore_mem>>) src(%arg4 : memref<625x128xf32, #tpu.memory_space<hbm>>) dst(%dma_wait3A_13 : memref<625x128xf32, #tpu.memory_space<vmem_shared>>)
      tpu.yield
    }) : () -> ()
    %barrier3A = arith.constant 0 : index
    tpu.barrier barrier_id(%barrier3A)
    %scan3A = arith.constant 0 : i32
    %scan3A_5 = arith.constant 5 : i32
    %scan3A_6 = arith.addi %scan3A, %scan3A_5 : i32
    %scan3A_7 = arith.constant 1 : i32
    scf.for %scan3A_12 = %scan3A to %scan3A_6 step %scan3A_7  : i32 {
      %mul3A_13 = arith.constant 1 : i32
      %mul3A_14 = arith.muli %scan3A_12, %mul3A_13 : i32
      %add3A_15 = arith.constant 0 : i32
      %add3A_16 = arith.addi %add3A_15, %mul3A_14 : i32
      %mul3A_17 = arith.constant 8 : i32
      %mul3A_18 = arith.muli %add3A_16, %mul3A_17 : i32
      %add3A_19 = arith.constant 0 : i32
      %add3A_20 = arith.addi %mul3A_18, %add3A_19 : i32
      %dma_start3A = arith.constant 0 : i32
      %dma_start3A_21 = tpu.memref_slice %arg6[%add3A_20, %dma_start3A] : memref<40x128xi32, #tpu.memory_space<vmem>> -> memref<1x128xi32, #tpu.memory_space<vmem>>
      %dma_start3A_22 = tpu.memref_squeeze %dma_start3A_21 : memref<1x128xi32, #tpu.memory_space<vmem>> -> memref<128xi32, #tpu.memory_space<vmem>>
      %dma_start3A_23 = arith.constant 0 : i32
      %dma_start3A_24 = arith.constant 0 : i32
      %dma_start3A_25 = tpu.memref_slice %arg8[%dma_start3A_23, %dma_start3A_24] : memref<10128x128xf32, #tpu.memory_space<vmem_shared>> -> memref<10128x128xf32, #tpu.memory_space<vmem_shared>>
      tpu.enqueue_indirect_dma source(%arg7 : memref<128x128xf32, #tpu.memory_space<vmem>>) target(%dma_start3A_25 : memref<10128x128xf32, #tpu.memory_space<vmem_shared>>) offsets(%dma_start3A_22 : memref<128xi32, #tpu.memory_space<vmem>>) semaphore(%arg9 : memref<!tpu.dma_semaphore, #tpu.memory_space<semaphore_mem>>) {add = true}
      %mul3A_26 = arith.constant 8 : i32
      %mul3A_27 = arith.muli %add3A_16, %mul3A_26 : i32
      %add3A_28 = arith.constant 1 : i32
      %add3A_29 = arith.addi %mul3A_27, %add3A_28 : i32
      %dma_start3A_30 = arith.constant 0 : i32
      %dma_start3A_31 = tpu.memref_slice %arg6[%add3A_29, %dma_start3A_30] : memref<40x128xi32, #tpu.memory_space<vmem>> -> memref<1x128xi32, #tpu.memory_space<vmem>>
      %dma_start3A_32 = tpu.memref_squeeze %dma_start3A_31 : memref<1x128xi32, #tpu.memory_space<vmem>> -> memref<128xi32, #tpu.memory_space<vmem>>
      %dma_start3A_33 = arith.constant 0 : i32
      %dma_start3A_34 = arith.constant 0 : i32
      %dma_start3A_35 = tpu.memref_slice %arg8[%dma_start3A_33, %dma_start3A_34] : memref<10128x128xf32, #tpu.memory_space<vmem_shared>> -> memref<10128x128xf32, #tpu.memory_space<vmem_shared>>
      tpu.enqueue_indirect_dma source(%arg7 : memref<128x128xf32, #tpu.memory_space<vmem>>) target(%dma_start3A_35 : memref<10128x128xf32, #tpu.memory_space<vmem_shared>>) offsets(%dma_start3A_32 : memref<128xi32, #tpu.memory_space<vmem>>) semaphore(%arg10 : memref<!tpu.dma_semaphore, #tpu.memory_space<semaphore_mem>>) {add = true}
      %mul3A_36 = arith.constant 8 : i32
      %mul3A_37 = arith.muli %add3A_16, %mul3A_36 : i32
      %add3A_38 = arith.constant 2 : i32
      %add3A_39 = arith.addi %mul3A_37, %add3A_38 : i32
      %dma_start3A_40 = arith.constant 0 : i32
      %dma_start3A_41 = tpu.memref_slice %arg6[%add3A_39, %dma_start3A_40] : memref<40x128xi32, #tpu.memory_space<vmem>> -> memref<1x128xi32, #tpu.memory_space<vmem>>
      %dma_start3A_42 = tpu.memref_squeeze %dma_start3A_41 : memref<1x128xi32, #tpu.memory_space<vmem>> -> memref<128xi32, #tpu.memory_space<vmem>>
      %dma_start3A_43 = arith.constant 0 : i32
      %dma_start3A_44 = arith.constant 0 : i32
      %dma_start3A_45 = tpu.memref_slice %arg8[%dma_start3A_43, %dma_start3A_44] : memref<10128x128xf32, #tpu.memory_space<vmem_shared>> -> memref<10128x128xf32, #tpu.memory_space<vmem_shared>>
      tpu.enqueue_indirect_dma source(%arg7 : memref<128x128xf32, #tpu.memory_space<vmem>>) target(%dma_start3A_45 : memref<10128x128xf32, #tpu.memory_space<vmem_shared>>) offsets(%dma_start3A_42 : memref<128xi32, #tpu.memory_space<vmem>>) semaphore(%arg11 : memref<!tpu.dma_semaphore, #tpu.memory_space<semaphore_mem>>) {add = true}
      %mul3A_46 = arith.constant 8 : i32
      %mul3A_47 = arith.muli %add3A_16, %mul3A_46 : i32
      %add3A_48 = arith.constant 3 : i32
      %add3A_49 = arith.addi %mul3A_47, %add3A_48 : i32
      %dma_start3A_50 = arith.constant 0 : i32
      %dma_start3A_51 = tpu.memref_slice %arg6[%add3A_49, %dma_start3A_50] : memref<40x128xi32, #tpu.memory_space<vmem>> -> memref<1x128xi32, #tpu.memory_space<vmem>>
      %dma_start3A_52 = tpu.memref_squeeze %dma_start3A_51 : memref<1x128xi32, #tpu.memory_space<vmem>> -> memref<128xi32, #tpu.memory_space<vmem>>
      %dma_start3A_53 = arith.constant 0 : i32
      %dma_start3A_54 = arith.constant 0 : i32
      %dma_start3A_55 = tpu.memref_slice %arg8[%dma_start3A_53, %dma_start3A_54] : memref<10128x128xf32, #tpu.memory_space<vmem_shared>> -> memref<10128x128xf32, #tpu.memory_space<vmem_shared>>
      tpu.enqueue_indirect_dma source(%arg7 : memref<128x128xf32, #tpu.memory_space<vmem>>) target(%dma_start3A_55 : memref<10128x128xf32, #tpu.memory_space<vmem_shared>>) offsets(%dma_start3A_52 : memref<128xi32, #tpu.memory_space<vmem>>) semaphore(%arg12 : memref<!tpu.dma_semaphore, #tpu.memory_space<semaphore_mem>>) {add = true}
      %mul3A_56 = arith.constant 8 : i32
      %mul3A_57 = arith.muli %add3A_16, %mul3A_56 : i32
      %add3A_58 = arith.constant 4 : i32
      %add3A_59 = arith.addi %mul3A_57, %add3A_58 : i32
      %dma_start3A_60 = arith.constant 0 : i32
      %dma_start3A_61 = tpu.memref_slice %arg6[%add3A_59, %dma_start3A_60] : memref<40x128xi32, #tpu.memory_space<vmem>> -> memref<1x128xi32, #tpu.memory_space<vmem>>
      %dma_start3A_62 = tpu.memref_squeeze %dma_start3A_61 : memref<1x128xi32, #tpu.memory_space<vmem>> -> memref<128xi32, #tpu.memory_space<vmem>>
      %dma_start3A_63 = arith.constant 0 : i32
      %dma_start3A_64 = arith.constant 0 : i32
      %dma_start3A_65 = tpu.memref_slice %arg8[%dma_start3A_63, %dma_start3A_64] : memref<10128x128xf32, #tpu.memory_space<vmem_shared>> -> memref<10128x128xf32, #tpu.memory_space<vmem_shared>>
      tpu.enqueue_indirect_dma source(%arg7 : memref<128x128xf32, #tpu.memory_space<vmem>>) target(%dma_start3A_65 : memref<10128x128xf32, #tpu.memory_space<vmem_shared>>) offsets(%dma_start3A_62 : memref<128xi32, #tpu.memory_space<vmem>>) semaphore(%arg13 : memref<!tpu.dma_semaphore, #tpu.memory_space<semaphore_mem>>) {add = true}
      %mul3A_66 = arith.constant 8 : i32
      %mul3A_67 = arith.muli %add3A_16, %mul3A_66 : i32
      %add3A_68 = arith.constant 5 : i32
      %add3A_69 = arith.addi %mul3A_67, %add3A_68 : i32
      %dma_start3A_70 = arith.constant 0 : i32
      %dma_start3A_71 = tpu.memref_slice %arg6[%add3A_69, %dma_start3A_70] : memref<40x128xi32, #tpu.memory_space<vmem>> -> memref<1x128xi32, #tpu.memory_space<vmem>>
      %dma_start3A_72 = tpu.memref_squeeze %dma_start3A_71 : memref<1x128xi32, #tpu.memory_space<vmem>> -> memref<128xi32, #tpu.memory_space<vmem>>
      %dma_start3A_73 = arith.constant 0 : i32
      %dma_start3A_74 = arith.constant 0 : i32
      %dma_start3A_75 = tpu.memref_slice %arg8[%dma_start3A_73, %dma_start3A_74] : memref<10128x128xf32, #tpu.memory_space<vmem_shared>> -> memref<10128x128xf32, #tpu.memory_space<vmem_shared>>
      tpu.enqueue_indirect_dma source(%arg7 : memref<128x128xf32, #tpu.memory_space<vmem>>) target(%dma_start3A_75 : memref<10128x128xf32, #tpu.memory_space<vmem_shared>>) offsets(%dma_start3A_72 : memref<128xi32, #tpu.memory_space<vmem>>) semaphore(%arg14 : memref<!tpu.dma_semaphore, #tpu.memory_space<semaphore_mem>>) {add = true}
      %mul3A_76 = arith.constant 8 : i32
      %mul3A_77 = arith.muli %add3A_16, %mul3A_76 : i32
      %add3A_78 = arith.constant 6 : i32
      %add3A_79 = arith.addi %mul3A_77, %add3A_78 : i32
      %dma_start3A_80 = arith.constant 0 : i32
      %dma_start3A_81 = tpu.memref_slice %arg6[%add3A_79, %dma_start3A_80] : memref<40x128xi32, #tpu.memory_space<vmem>> -> memref<1x128xi32, #tpu.memory_space<vmem>>
      %dma_start3A_82 = tpu.memref_squeeze %dma_start3A_81 : memref<1x128xi32, #tpu.memory_space<vmem>> -> memref<128xi32, #tpu.memory_space<vmem>>
      %dma_start3A_83 = arith.constant 0 : i32
      %dma_start3A_84 = arith.constant 0 : i32
      %dma_start3A_85 = tpu.memref_slice %arg8[%dma_start3A_83, %dma_start3A_84] : memref<10128x128xf32, #tpu.memory_space<vmem_shared>> -> memref<10128x128xf32, #tpu.memory_space<vmem_shared>>
      tpu.enqueue_indirect_dma source(%arg7 : memref<128x128xf32, #tpu.memory_space<vmem>>) target(%dma_start3A_85 : memref<10128x128xf32, #tpu.memory_space<vmem_shared>>) offsets(%dma_start3A_82 : memref<128xi32, #tpu.memory_space<vmem>>) semaphore(%arg15 : memref<!tpu.dma_semaphore, #tpu.memory_space<semaphore_mem>>) {add = true}
      %mul3A_86 = arith.constant 8 : i32
      %mul3A_87 = arith.muli %add3A_16, %mul3A_86 : i32
      %add3A_88 = arith.constant 7 : i32
      %add3A_89 = arith.addi %mul3A_87, %add3A_88 : i32
      %dma_start3A_90 = arith.constant 0 : i32
      %dma_start3A_91 = tpu.memref_slice %arg6[%add3A_89, %dma_start3A_90] : memref<40x128xi32, #tpu.memory_space<vmem>> -> memref<1x128xi32, #tpu.memory_space<vmem>>
      %dma_start3A_92 = tpu.memref_squeeze %dma_start3A_91 : memref<1x128xi32, #tpu.memory_space<vmem>> -> memref<128xi32, #tpu.memory_space<vmem>>
      %dma_start3A_93 = arith.constant 0 : i32
      %dma_start3A_94 = arith.constant 0 : i32
      %dma_start3A_95 = tpu.memref_slice %arg8[%dma_start3A_93, %dma_start3A_94] : memref<10128x128xf32, #tpu.memory_space<vmem_shared>> -> memref<10128x128xf32, #tpu.memory_space<vmem_shared>>
      tpu.enqueue_indirect_dma source(%arg7 : memref<128x128xf32, #tpu.memory_space<vmem>>) target(%dma_start3A_95 : memref<10128x128xf32, #tpu.memory_space<vmem_shared>>) offsets(%dma_start3A_92 : memref<128xi32, #tpu.memory_space<vmem>>) semaphore(%arg16 : memref<!tpu.dma_semaphore, #tpu.memory_space<semaphore_mem>>) {add = true}
      %dma_wait3A = arith.constant 0 : i32
      %dma_wait3A_96 = tpu.memref_slice %arg6[%add3A_20, %dma_wait3A] : memref<40x128xi32, #tpu.memory_space<vmem>> -> memref<1x128xi32, #tpu.memory_space<vmem>>
      %dma_wait3A_97 = tpu.memref_squeeze %dma_wait3A_96 : memref<1x128xi32, #tpu.memory_space<vmem>> -> memref<128xi32, #tpu.memory_space<vmem>>
      %dma_wait3A_98 = arith.constant 0 : i32
      %dma_wait3A_99 = arith.constant 0 : i32
      %dma_wait3A_100 = tpu.memref_slice %arg8[%dma_wait3A_98, %dma_wait3A_99] : memref<10128x128xf32, #tpu.memory_space<vmem_shared>> -> memref<10128x128xf32, #tpu.memory_space<vmem_shared>>
      tpu.wait_indirect_dma semaphore(%arg9 : memref<!tpu.dma_semaphore, #tpu.memory_space<semaphore_mem>>) src(%arg7 : memref<128x128xf32, #tpu.memory_space<vmem>>) dst(%dma_wait3A_100 : memref<10128x128xf32, #tpu.memory_space<vmem_shared>>)
      %dma_wait3A_101 = arith.constant 0 : i32
      %dma_wait3A_102 = tpu.memref_slice %arg6[%add3A_29, %dma_wait3A_101] : memref<40x128xi32, #tpu.memory_space<vmem>> -> memref<1x128xi32, #tpu.memory_space<vmem>>
      %dma_wait3A_103 = tpu.memref_squeeze %dma_wait3A_102 : memref<1x128xi32, #tpu.memory_space<vmem>> -> memref<128xi32, #tpu.memory_space<vmem>>
      %dma_wait3A_104 = arith.constant 0 : i32
      %dma_wait3A_105 = arith.constant 0 : i32
      %dma_wait3A_106 = tpu.memref_slice %arg8[%dma_wait3A_104, %dma_wait3A_105] : memref<10128x128xf32, #tpu.memory_space<vmem_shared>> -> memref<10128x128xf32, #tpu.memory_space<vmem_shared>>
      tpu.wait_indirect_dma semaphore(%arg10 : memref<!tpu.dma_semaphore, #tpu.memory_space<semaphore_mem>>) src(%arg7 : memref<128x128xf32, #tpu.memory_space<vmem>>) dst(%dma_wait3A_106 : memref<10128x128xf32, #tpu.memory_space<vmem_shared>>)
      %dma_wait3A_107 = arith.constant 0 : i32
      %dma_wait3A_108 = tpu.memref_slice %arg6[%add3A_39, %dma_wait3A_107] : memref<40x128xi32, #tpu.memory_space<vmem>> -> memref<1x128xi32, #tpu.memory_space<vmem>>
      %dma_wait3A_109 = tpu.memref_squeeze %dma_wait3A_108 : memref<1x128xi32, #tpu.memory_space<vmem>> -> memref<128xi32, #tpu.memory_space<vmem>>
      %dma_wait3A_110 = arith.constant 0 : i32
      %dma_wait3A_111 = arith.constant 0 : i32
      %dma_wait3A_112 = tpu.memref_slice %arg8[%dma_wait3A_110, %dma_wait3A_111] : memref<10128x128xf32, #tpu.memory_space<vmem_shared>> -> memref<10128x128xf32, #tpu.memory_space<vmem_shared>>
      tpu.wait_indirect_dma semaphore(%arg11 : memref<!tpu.dma_semaphore, #tpu.memory_space<semaphore_mem>>) src(%arg7 : memref<128x128xf32, #tpu.memory_space<vmem>>) dst(%dma_wait3A_112 : memref<10128x128xf32, #tpu.memory_space<vmem_shared>>)
      %dma_wait3A_113 = arith.constant 0 : i32
      %dma_wait3A_114 = tpu.memref_slice %arg6[%add3A_49, %dma_wait3A_113] : memref<40x128xi32, #tpu.memory_space<vmem>> -> memref<1x128xi32, #tpu.memory_space<vmem>>
      %dma_wait3A_115 = tpu.memref_squeeze %dma_wait3A_114 : memref<1x128xi32, #tpu.memory_space<vmem>> -> memref<128xi32, #tpu.memory_space<vmem>>
      %dma_wait3A_116 = arith.constant 0 : i32
      %dma_wait3A_117 = arith.constant 0 : i32
      %dma_wait3A_118 = tpu.memref_slice %arg8[%dma_wait3A_116, %dma_wait3A_117] : memref<10128x128xf32, #tpu.memory_space<vmem_shared>> -> memref<10128x128xf32, #tpu.memory_space<vmem_shared>>
      tpu.wait_indirect_dma semaphore(%arg12 : memref<!tpu.dma_semaphore, #tpu.memory_space<semaphore_mem>>) src(%arg7 : memref<128x128xf32, #tpu.memory_space<vmem>>) dst(%dma_wait3A_118 : memref<10128x128xf32, #tpu.memory_space<vmem_shared>>)
      %dma_wait3A_119 = arith.constant 0 : i32
      %dma_wait3A_120 = tpu.memref_slice %arg6[%add3A_59, %dma_wait3A_119] : memref<40x128xi32, #tpu.memory_space<vmem>> -> memref<1x128xi32, #tpu.memory_space<vmem>>
      %dma_wait3A_121 = tpu.memref_squeeze %dma_wait3A_120 : memref<1x128xi32, #tpu.memory_space<vmem>> -> memref<128xi32, #tpu.memory_space<vmem>>
      %dma_wait3A_122 = arith.constant 0 : i32
      %dma_wait3A_123 = arith.constant 0 : i32
      %dma_wait3A_124 = tpu.memref_slice %arg8[%dma_wait3A_122, %dma_wait3A_123] : memref<10128x128xf32, #tpu.memory_space<vmem_shared>> -> memref<10128x128xf32, #tpu.memory_space<vmem_shared>>
      tpu.wait_indirect_dma semaphore(%arg13 : memref<!tpu.dma_semaphore, #tpu.memory_space<semaphore_mem>>) src(%arg7 : memref<128x128xf32, #tpu.memory_space<vmem>>) dst(%dma_wait3A_124 : memref<10128x128xf32, #tpu.memory_space<vmem_shared>>)
      %dma_wait3A_125 = arith.constant 0 : i32
      %dma_wait3A_126 = tpu.memref_slice %arg6[%add3A_69, %dma_wait3A_125] : memref<40x128xi32, #tpu.memory_space<vmem>> -> memref<1x128xi32, #tpu.memory_space<vmem>>
      %dma_wait3A_127 = tpu.memref_squeeze %dma_wait3A_126 : memref<1x128xi32, #tpu.memory_space<vmem>> -> memref<128xi32, #tpu.memory_space<vmem>>
      %dma_wait3A_128 = arith.constant 0 : i32
      %dma_wait3A_129 = arith.constant 0 : i32
      %dma_wait3A_130 = tpu.memref_slice %arg8[%dma_wait3A_128, %dma_wait3A_129] : memref<10128x128xf32, #tpu.memory_space<vmem_shared>> -> memref<10128x128xf32, #tpu.memory_space<vmem_shared>>
      tpu.wait_indirect_dma semaphore(%arg14 : memref<!tpu.dma_semaphore, #tpu.memory_space<semaphore_mem>>) src(%arg7 : memref<128x128xf32, #tpu.memory_space<vmem>>) dst(%dma_wait3A_130 : memref<10128x128xf32, #tpu.memory_space<vmem_shared>>)
      %dma_wait3A_131 = arith.constant 0 : i32
      %dma_wait3A_132 = tpu.memref_slice %arg6[%add3A_79, %dma_wait3A_131] : memref<40x128xi32, #tpu.memory_space<vmem>> -> memref<1x128xi32, #tpu.memory_space<vmem>>
      %dma_wait3A_133 = tpu.memref_squeeze %dma_wait3A_132 : memref<1x128xi32, #tpu.memory_space<vmem>> -> memref<128xi32, #tpu.memory_space<vmem>>
      %dma_wait3A_134 = arith.constant 0 : i32
      %dma_wait3A_135 = arith.constant 0 : i32
      %dma_wait3A_136 = tpu.memref_slice %arg8[%dma_wait3A_134, %dma_wait3A_135] : memref<10128x128xf32, #tpu.memory_space<vmem_shared>> -> memref<10128x128xf32, #tpu.memory_space<vmem_shared>>
      tpu.wait_indirect_dma semaphore(%arg15 : memref<!tpu.dma_semaphore, #tpu.memory_space<semaphore_mem>>) src(%arg7 : memref<128x128xf32, #tpu.memory_space<vmem>>) dst(%dma_wait3A_136 : memref<10128x128xf32, #tpu.memory_space<vmem_shared>>)
      %dma_wait3A_137 = arith.constant 0 : i32
      %dma_wait3A_138 = tpu.memref_slice %arg6[%add3A_89, %dma_wait3A_137] : memref<40x128xi32, #tpu.memory_space<vmem>> -> memref<1x128xi32, #tpu.memory_space<vmem>>
      %dma_wait3A_139 = tpu.memref_squeeze %dma_wait3A_138 : memref<1x128xi32, #tpu.memory_space<vmem>> -> memref<128xi32, #tpu.memory_space<vmem>>
      %dma_wait3A_140 = arith.constant 0 : i32
      %dma_wait3A_141 = arith.constant 0 : i32
      %dma_wait3A_142 = tpu.memref_slice %arg8[%dma_wait3A_140, %dma_wait3A_141] : memref<10128x128xf32, #tpu.memory_space<vmem_shared>> -> memref<10128x128xf32, #tpu.memory_space<vmem_shared>>
      tpu.wait_indirect_dma semaphore(%arg16 : memref<!tpu.dma_semaphore, #tpu.memory_space<semaphore_mem>>) src(%arg7 : memref<128x128xf32, #tpu.memory_space<vmem>>) dst(%dma_wait3A_142 : memref<10128x128xf32, #tpu.memory_space<vmem_shared>>)
    }
    %scan3A_8 = arith.constant 5 : i32
    %barrier3A_9 = arith.constant 0 : index
    tpu.barrier barrier_id(%barrier3A_9)
    %mul3A_10 = arith.constant 625 : i32
    %mul3A_11 = arith.muli %arg1, %mul3A_10 : i32
    "tpu.region"() ({
      %run_scoped3A = tpu.sem_alloc : memref<!tpu.dma_semaphore, #tpu.memory_space<semaphore_mem>>
      %dma_start3A = arith.constant 0 : i32
      %dma_start3A_12 = arith.constant 0 : i32
      %dma_start3A_13 = tpu.memref_slice %arg5[%arg0, %arg1, %dma_start3A, %dma_start3A_12] : memref<2x16x625x128xf32, #tpu.memory_space<hbm>> -> memref<1x1x625x128xf32, #tpu.memory_space<hbm>>
      %dma_start3A_14 = tpu.memref_squeeze %dma_start3A_13 : memref<1x1x625x128xf32, #tpu.memory_space<hbm>> -> memref<625x128xf32, #tpu.memory_space<hbm>>
      %dma_start3A_15 = arith.constant 0 : i32
      %dma_start3A_16 = tpu.memref_slice %arg8[%mul3A_11, %dma_start3A_15] : memref<10128x128xf32, #tpu.memory_space<vmem_shared>> -> memref<625x128xf32, #tpu.memory_space<vmem_shared>>
      tpu.enqueue_dma source(%dma_start3A_16 : memref<625x128xf32, #tpu.memory_space<vmem_shared>>) target(%dma_start3A_14 : memref<625x128xf32, #tpu.memory_space<hbm>>) target_semaphore(%run_scoped3A : memref<!tpu.dma_semaphore, #tpu.memory_space<semaphore_mem>>)
      %dma_wait3A = arith.constant 0 : i32
      %dma_wait3A_17 = arith.constant 0 : i32
      %dma_wait3A_18 = tpu.memref_slice %arg5[%arg0, %arg1, %dma_wait3A, %dma_wait3A_17] : memref<2x16x625x128xf32, #tpu.memory_space<hbm>> -> memref<1x1x625x128xf32, #tpu.memory_space<hbm>>
      %dma_wait3A_19 = tpu.memref_squeeze %dma_wait3A_18 : memref<1x1x625x128xf32, #tpu.memory_space<hbm>> -> memref<625x128xf32, #tpu.memory_space<hbm>>
      %dma_wait3A_20 = arith.constant 0 : i32
      %dma_wait3A_21 = tpu.memref_slice %arg8[%mul3A_11, %dma_wait3A_20] : memref<10128x128xf32, #tpu.memory_space<vmem_shared>> -> memref<625x128xf32, #tpu.memory_space<vmem_shared>>
      tpu.wait_dma2 semaphore(%run_scoped3A : memref<!tpu.dma_semaphore, #tpu.memory_space<semaphore_mem>>) src(%dma_wait3A_21 : memref<625x128xf32, #tpu.memory_space<vmem_shared>>) dst(%dma_wait3A_19 : memref<625x128xf32, #tpu.memory_space<hbm>>)
      tpu.yield
    }) : () -> ()
    return
  }
}

module attributes {stable_mosaic.version = 14 : i64} {
  func.func @body(%arg0: i32, %arg1: memref<1000x512xf32, #tpu.memory_space<vmem>>, %arg2: memref<512x512xf32, #tpu.memory_space<vmem>>, %arg3: memref<1x1000x128xf32, #tpu.memory_space<vmem>>, %arg4: memref<1x1000x128xf32, #tpu.memory_space<vmem>>, %arg5: memref<4x1000x128xf32, #tpu.memory_space<vmem>>, %arg6: memref<1000x512xf32, #tpu.memory_space<vmem>>) attributes {dimension_semantics = [#tpu.dimension_semantics<arbitrary>], iteration_bounds = array<i64: 10>, scalar_prefetch = 0 : i64, scratch_operands = 0 : i64, tpu.core_type = #tpu.core_type<tc>, window_params = [{transform_indices = @transform_0, window_bounds = array<i64: 1000, 512>}, {pipeline_mode = #tpu.pipeline_mode<synchronous>, transform_indices = @transform_1, window_bounds = array<i64: 512, 512>}, {transform_indices = @transform_2, window_bounds = array<i64: 1, 1000, 128>}, {transform_indices = @transform_3, window_bounds = array<i64: 1, 1000, 128>}, {transform_indices = @transform_4, window_bounds = array<i64: 4, 1000, 128>}, {transform_indices = @transform_5, window_bounds = array<i64: 1000, 512>}]} {
    %get3A = arith.constant 0 : index
    %get3A_0 = arith.constant 0 : index
    %get3A_1 = vector.load %arg1[%get3A, %get3A_0] : memref<1000x512xf32, #tpu.memory_space<vmem>>, vector<1000x512xf32>
    %get3A_2 = arith.constant 0 : index
    %get3A_3 = arith.constant 0 : index
    %get3A_4 = vector.load %arg2[%get3A_2, %get3A_3] : memref<512x512xf32, #tpu.memory_space<vmem>>, vector<512x512xf32>
    %dot_general3A = arith.constant dense<0.000000e+00> : vector<1000x512xf32>
    %dot_general3A_5 = tpu.matmul %get3A_1, %get3A_4, %dot_general3A {dimension_numbers = #tpu.dot_dimension_numbers<[1], [0], [0], [1], [0, 0, 1, 1], [], []>, transpose_lhs_hint = false} : vector<1000x512xf32>, vector<512x512xf32>, vector<1000x512xf32> -> vector<1000x512xf32>
    %get3A_6 = arith.constant 0 : index
    %get3A_7 = arith.constant 0 : index
    %get3A_8 = arith.constant 0 : index
    %get3A_9 = vector.load %arg3[%get3A_6, %get3A_7, %get3A_8] : memref<1x1000x128xf32, #tpu.memory_space<vmem>>, vector<1x1000x1xf32>
    %get3A_10 = vector.shape_cast %get3A_9 : vector<1x1000x1xf32> to vector<1000xf32>
    %add3A = arith.constant 1.000000e+00 : f32
    %add3A_11 = vector.broadcast %add3A : f32 to vector<1000xf32>
    %add3A_12 = arith.addf %add3A_11, %get3A_10 : vector<1000xf32>
    %get3A_13 = arith.constant 0 : index
    %get3A_14 = arith.constant 0 : index
    %get3A_15 = arith.constant 0 : index
    %get3A_16 = vector.load %arg4[%get3A_13, %get3A_14, %get3A_15] : memref<1x1000x128xf32, #tpu.memory_space<vmem>>, vector<1x1000x1xf32>
    %get3A_17 = vector.shape_cast %get3A_16 : vector<1x1000x1xf32> to vector<1000xf32>
    %add3A_18 = arith.addf %add3A_12, %get3A_17 : vector<1000xf32>
    %rsqrt3A = math.rsqrt %add3A_18 : vector<1000xf32>
    %broadcast_in_dim3A = vector.shape_cast %rsqrt3A : vector<1000xf32> to vector<1000x1xf32>
    %mul3A = vector.broadcast %broadcast_in_dim3A : vector<1000x1xf32> to vector<1000x512xf32>
    %mul3A_19 = arith.mulf %dot_general3A_5, %mul3A : vector<1000x512xf32>
    %mul3A_20 = vector.broadcast %broadcast_in_dim3A : vector<1000x1xf32> to vector<1000x512xf32>
    %mul3A_21 = arith.mulf %mul3A_19, %mul3A_20 : vector<1000x512xf32>
    %swap3A = arith.constant 0 : index
    %swap3A_22 = arith.constant 0 : index
    %swap3A_23 = vector.load %arg6[%swap3A, %swap3A_22] : memref<1000x512xf32, #tpu.memory_space<vmem>>, vector<1000x512xf32>
    tpu.vector_store %arg6[%swap3A, %swap3A_22], %mul3A_21 {strides = array<i32>} : memref<1000x512xf32, #tpu.memory_space<vmem>>, vector<1000x512xf32>,
    %slice3A = vector.extract_strided_slice %mul3A_19 {offsets = [0, 0], sizes = [1000, 128], strides = [1, 1]} : vector<1000x512xf32> to vector<1000x128xf32>
    %swap3A_24 = arith.constant 0 : index
    %swap3A_25 = arith.constant 0 : index
    %swap3A_26 = arith.constant 0 : index
    %swap3A_27 = vector.load %arg5[%swap3A_24, %swap3A_25, %swap3A_26] : memref<4x1000x128xf32, #tpu.memory_space<vmem>>, vector<1x1000x128xf32>
    %swap3A_28 = vector.shape_cast %swap3A_27 : vector<1x1000x128xf32> to vector<1000x128xf32>
    %swap3A_29 = vector.shape_cast %slice3A : vector<1000x128xf32> to vector<1x1000x128xf32>
    tpu.vector_store %arg5[%swap3A_24, %swap3A_25, %swap3A_26], %swap3A_29 {strides = array<i32>} : memref<4x1000x128xf32, #tpu.memory_space<vmem>>, vector<1x1000x128xf32>,
    %slice3A_30 = vector.extract_strided_slice %mul3A_19 {offsets = [0, 128], sizes = [1000, 128], strides = [1, 1]} : vector<1000x512xf32> to vector<1000x128xf32>
    %swap3A_31 = arith.constant 1 : index
    %swap3A_32 = arith.constant 0 : index
    %swap3A_33 = arith.constant 0 : index
    %swap3A_34 = vector.load %arg5[%swap3A_31, %swap3A_32, %swap3A_33] : memref<4x1000x128xf32, #tpu.memory_space<vmem>>, vector<1x1000x128xf32>
    %swap3A_35 = vector.shape_cast %swap3A_34 : vector<1x1000x128xf32> to vector<1000x128xf32>
    %swap3A_36 = vector.shape_cast %slice3A_30 : vector<1000x128xf32> to vector<1x1000x128xf32>
    tpu.vector_store %arg5[%swap3A_31, %swap3A_32, %swap3A_33], %swap3A_36 {strides = array<i32>} : memref<4x1000x128xf32, #tpu.memory_space<vmem>>, vector<1x1000x128xf32>,
    %slice3A_37 = vector.extract_strided_slice %mul3A_19 {offsets = [0, 256], sizes = [1000, 128], strides = [1, 1]} : vector<1000x512xf32> to vector<1000x128xf32>
    %swap3A_38 = arith.constant 2 : index
    %swap3A_39 = arith.constant 0 : index
    %swap3A_40 = arith.constant 0 : index
    %swap3A_41 = vector.load %arg5[%swap3A_38, %swap3A_39, %swap3A_40] : memref<4x1000x128xf32, #tpu.memory_space<vmem>>, vector<1x1000x128xf32>
    %swap3A_42 = vector.shape_cast %swap3A_41 : vector<1x1000x128xf32> to vector<1000x128xf32>
    %swap3A_43 = vector.shape_cast %slice3A_37 : vector<1000x128xf32> to vector<1x1000x128xf32>
    tpu.vector_store %arg5[%swap3A_38, %swap3A_39, %swap3A_40], %swap3A_43 {strides = array<i32>} : memref<4x1000x128xf32, #tpu.memory_space<vmem>>, vector<1x1000x128xf32>,
    %slice3A_44 = vector.extract_strided_slice %mul3A_19 {offsets = [0, 384], sizes = [1000, 128], strides = [1, 1]} : vector<1000x512xf32> to vector<1000x128xf32>
    %swap3A_45 = arith.constant 3 : index
    %swap3A_46 = arith.constant 0 : index
    %swap3A_47 = arith.constant 0 : index
    %swap3A_48 = vector.load %arg5[%swap3A_45, %swap3A_46, %swap3A_47] : memref<4x1000x128xf32, #tpu.memory_space<vmem>>, vector<1x1000x128xf32>
    %swap3A_49 = vector.shape_cast %swap3A_48 : vector<1x1000x128xf32> to vector<1000x128xf32>
    %swap3A_50 = vector.shape_cast %slice3A_44 : vector<1000x128xf32> to vector<1x1000x128xf32>
    tpu.vector_store %arg5[%swap3A_45, %swap3A_46, %swap3A_47], %swap3A_50 {strides = array<i32>} : memref<4x1000x128xf32, #tpu.memory_space<vmem>>, vector<1x1000x128xf32>,
    return
  }
  func.func @transform_0(%arg0: i32) -> (i32, i32) {
    %c0_i32 = arith.constant 0 : i32
    %c0_i32_0 = arith.constant 0 : i32
    return %arg0, %c0_i32 : i32, i32
  }
  func.func @transform_1(%arg0: i32) -> (i32, i32) {
    %c0_i32 = arith.constant 0 : i32
    %c0_i32_0 = arith.constant 0 : i32
    %c0_i32_1 = arith.constant 0 : i32
    return %c0_i32, %c0_i32_0 : i32, i32
  }
  func.func @transform_2(%arg0: i32) -> (i32, i32, i32) {
    %c0_i32 = arith.constant 0 : i32
    %c0_i32_0 = arith.constant 0 : i32
    %c0_i32_1 = arith.constant 0 : i32
    return %c0_i32, %arg0, %c0_i32_0 : i32, i32, i32
  }
  func.func @transform_3(%arg0: i32) -> (i32, i32, i32) {
    %c1_i32 = arith.constant 1 : i32
    %c0_i32 = arith.constant 0 : i32
    %c0_i32_0 = arith.constant 0 : i32
    return %c1_i32, %arg0, %c0_i32 : i32, i32, i32
  }
  func.func @transform_4(%arg0: i32) -> (i32, i32, i32) {
    %c0_i32 = arith.constant 0 : i32
    %c0_i32_0 = arith.constant 0 : i32
    %c0_i32_1 = arith.constant 0 : i32
    return %c0_i32, %arg0, %c0_i32_0 : i32, i32, i32
  }
  func.func @transform_5(%arg0: i32) -> (i32, i32) {
    %c0_i32 = arith.constant 0 : i32
    %c0_i32_0 = arith.constant 0 : i32
    return %arg0, %c0_i32 : i32, i32
  }
}

module attributes {stable_mosaic.version = 14 : i64} {
  func.func @body(%arg0: i32, %arg1: memref<4x1000x128xf32, #tpu.memory_space<vmem>>, %arg2: memref<1000x512xf32, #tpu.memory_space<vmem>>, %arg3: memref<1x1000x128xf32, #tpu.memory_space<vmem>>, %arg4: memref<1x1000x128xf32, #tpu.memory_space<vmem>>, %arg5: memref<1x512xf32, #tpu.memory_space<vmem>>, %arg6: memref<1000x512xf32, #tpu.memory_space<vmem>>) attributes {dimension_semantics = [#tpu.dimension_semantics<arbitrary>], iteration_bounds = array<i64: 10>, scalar_prefetch = 0 : i64, scratch_operands = 0 : i64, tpu.core_type = #tpu.core_type<tc>, window_params = [{transform_indices = @transform_0, window_bounds = array<i64: 4, 1000, 128>}, {transform_indices = @transform_1, window_bounds = array<i64: 1000, 512>}, {transform_indices = @transform_2, window_bounds = array<i64: 1, 1000, 128>}, {transform_indices = @transform_3, window_bounds = array<i64: 1, 1000, 128>}, {pipeline_mode = #tpu.pipeline_mode<synchronous>, transform_indices = @transform_4, window_bounds = array<i64: 1, 512>}, {transform_indices = @transform_5, window_bounds = array<i64: 1000, 512>}]} {
    %get3A = arith.constant 0 : index
    %get3A_0 = arith.constant 0 : index
    %get3A_1 = arith.constant 0 : index
    %get3A_2 = vector.load %arg3[%get3A, %get3A_0, %get3A_1] : memref<1x1000x128xf32, #tpu.memory_space<vmem>>, vector<1x1000x1xf32>
    %get3A_3 = vector.shape_cast %get3A_2 : vector<1x1000x1xf32> to vector<1000xf32>
    %add3A = arith.constant 1.000000e+00 : f32
    %add3A_4 = vector.broadcast %add3A : f32 to vector<1000xf32>
    %add3A_5 = arith.addf %add3A_4, %get3A_3 : vector<1000xf32>
    %get3A_6 = arith.constant 0 : index
    %get3A_7 = arith.constant 0 : index
    %get3A_8 = arith.constant 0 : index
    %get3A_9 = vector.load %arg4[%get3A_6, %get3A_7, %get3A_8] : memref<1x1000x128xf32, #tpu.memory_space<vmem>>, vector<1x1000x1xf32>
    %get3A_10 = vector.shape_cast %get3A_9 : vector<1x1000x1xf32> to vector<1000xf32>
    %add3A_11 = arith.addf %add3A_5, %get3A_10 : vector<1000xf32>
    %rsqrt3A = math.rsqrt %add3A_11 : vector<1000xf32>
    %broadcast_in_dim3A = vector.shape_cast %rsqrt3A : vector<1000xf32> to vector<1000x1xf32>
    %get3A_12 = arith.constant 0 : index
    %get3A_13 = arith.constant 0 : index
    %get3A_14 = arith.constant 0 : index
    %get3A_15 = vector.load %arg1[%get3A_12, %get3A_13, %get3A_14] : memref<4x1000x128xf32, #tpu.memory_space<vmem>>, vector<1x1000x128xf32>
    %get3A_16 = vector.shape_cast %get3A_15 : vector<1x1000x128xf32> to vector<1000x128xf32>
    %get3A_17 = arith.constant 1 : index
    %get3A_18 = arith.constant 0 : index
    %get3A_19 = arith.constant 0 : index
    %get3A_20 = vector.load %arg1[%get3A_17, %get3A_18, %get3A_19] : memref<4x1000x128xf32, #tpu.memory_space<vmem>>, vector<1x1000x128xf32>
    %get3A_21 = vector.shape_cast %get3A_20 : vector<1x1000x128xf32> to vector<1000x128xf32>
    %get3A_22 = arith.constant 2 : index
    %get3A_23 = arith.constant 0 : index
    %get3A_24 = arith.constant 0 : index
    %get3A_25 = vector.load %arg1[%get3A_22, %get3A_23, %get3A_24] : memref<4x1000x128xf32, #tpu.memory_space<vmem>>, vector<1x1000x128xf32>
    %get3A_26 = vector.shape_cast %get3A_25 : vector<1x1000x128xf32> to vector<1000x128xf32>
    %get3A_27 = arith.constant 3 : index
    %get3A_28 = arith.constant 0 : index
    %get3A_29 = arith.constant 0 : index
    %get3A_30 = vector.load %arg1[%get3A_27, %get3A_28, %get3A_29] : memref<4x1000x128xf32, #tpu.memory_space<vmem>>, vector<1x1000x128xf32>
    %get3A_31 = vector.shape_cast %get3A_30 : vector<1x1000x128xf32> to vector<1000x128xf32>
    %concatenate3A = tpu.concatenate %get3A_16, %get3A_21, %get3A_26, %get3A_31 in 1 : vector<1000x128xf32>, vector<1000x128xf32>, vector<1000x128xf32>, vector<1000x128xf32> -> vector<1000x512xf32>
    %mul3A = vector.broadcast %broadcast_in_dim3A : vector<1000x1xf32> to vector<1000x512xf32>
    %mul3A_32 = arith.mulf %concatenate3A, %mul3A : vector<1000x512xf32>
    %get3A_33 = arith.constant 0 : index
    %get3A_34 = arith.constant 0 : index
    %get3A_35 = vector.load %arg2[%get3A_33, %get3A_34] : memref<1000x512xf32, #tpu.memory_space<vmem>>, vector<1000x512xf32>
    %add3A_36 = arith.addf %mul3A_32, %get3A_35 : vector<1000x512xf32>
    %get3A_37 = arith.constant 0 : index
    %get3A_38 = arith.constant 0 : index
    %get3A_39 = vector.load %arg5[%get3A_37, %get3A_38] : memref<1x512xf32, #tpu.memory_space<vmem>>, vector<1x512xf32>
    %add3A_40 = vector.broadcast %get3A_39 : vector<1x512xf32> to vector<1000x512xf32>
    %add3A_41 = arith.addf %add3A_36, %add3A_40 : vector<1000x512xf32>
    %swap3A = arith.constant 0 : index
    %swap3A_42 = arith.constant 0 : index
    %swap3A_43 = vector.load %arg6[%swap3A, %swap3A_42] : memref<1000x512xf32, #tpu.memory_space<vmem>>, vector<1000x512xf32>
    tpu.vector_store %arg6[%swap3A, %swap3A_42], %add3A_41 {strides = array<i32>} : memref<1000x512xf32, #tpu.memory_space<vmem>>, vector<1000x512xf32>,
    return
  }
  func.func @transform_0(%arg0: i32) -> (i32, i32, i32) {
    %c0_i32 = arith.constant 0 : i32
    %c0_i32_0 = arith.constant 0 : i32
    %c0_i32_1 = arith.constant 0 : i32
    return %c0_i32, %arg0, %c0_i32_0 : i32, i32, i32
  }
  func.func @transform_1(%arg0: i32) -> (i32, i32) {
    %c0_i32 = arith.constant 0 : i32
    %c0_i32_0 = arith.constant 0 : i32
    return %arg0, %c0_i32 : i32, i32
  }
  func.func @transform_2(%arg0: i32) -> (i32, i32, i32) {
    %c0_i32 = arith.constant 0 : i32
    %c0_i32_0 = arith.constant 0 : i32
    %c0_i32_1 = arith.constant 0 : i32
    return %c0_i32, %arg0, %c0_i32_0 : i32, i32, i32
  }
  func.func @transform_3(%arg0: i32) -> (i32, i32, i32) {
    %c1_i32 = arith.constant 1 : i32
    %c0_i32 = arith.constant 0 : i32
    %c0_i32_0 = arith.constant 0 : i32
    return %c1_i32, %arg0, %c0_i32 : i32, i32, i32
  }
  func.func @transform_4(%arg0: i32) -> (i32, i32) {
    %c0_i32 = arith.constant 0 : i32
    %c0_i32_0 = arith.constant 0 : i32
    %c0_i32_1 = arith.constant 0 : i32
    return %c0_i32, %c0_i32_0 : i32, i32
  }
  func.func @transform_5(%arg0: i32) -> (i32, i32) {
    %c0_i32 = arith.constant 0 : i32
    %c0_i32_0 = arith.constant 0 : i32
    return %arg0, %c0_i32 : i32, i32
  }
}

</mosaic_0001>

<sc_bundles>
// kernel: kernel.6.cloned.1.call-start
scs
__scs_entry_jumppad:
0x0: {  	(pc) =	sbr.rel $0x88, $3  }
0x1: {  	(tag) =	ssettag $0x0;
	lr =	simm.s32 $0x1  }
0x2: {  	[smem:$0x3F9D] =	sst lr;
	_ =	strace $0xD0000000  }
0x3: {  	_ = 	snop  }
0x4: {  	_ = 	snop  }
0x5: {  	_ = 	snop  }
0x6: {  	_ = 	snop  }
0x7: {  	_ = 	snop  }
__scs_overlays_trampoline_lowered:
0x8: {  	[smem:$0x3FAC] =	sst s0  }
0x9: {  	[smem:$0x3FAD] =	sst s1  }
0xa: {  	[smem:$0x3FAE] =	sst s2  }
0xb: {  	[smem:$0x3FAF] =	sst s3  }
0xc: {  	[smem:$0x3FB0] =	sst s4  }
0xd: {  	[smem:$0x3FB1] =	sst s5  }
0xe: {  	[smem:$0x3FB2] =	sst s6  }
0xf: {  	[smem:$0x3FB3] =	sst s7  }
0x10: {  	[smem:$0x3FB4] =	sst s8  }
0x11: {  	[smem:$0x3FB5] =	sst s9;
	s0 =	simm.s32 @!p0 $0x0  }
0x12: {  	s1 =	sld [smem:$0x3F9B];
	s0 =	simm.s32 @p0 $0x1  }
0x13: {  	[smem:$0x3FB6] =	sst s0;
	s0 =	simm.s32 @!p1 $0x0  }
0x14: {  	s2 =	sld [smem:$0x3F9A];
	s0 =	simm.s32 @p1 $0x1  }
0x15: {  	[smem:$0x3FB7] =	sst s0;
	s0 =	simm.s32 @!p2 $0x0  }
0x16: {  	s3 =	sld [smem:$0x3FDB];
	s0 =	simm.s32 @p2 $0x1  }
0x17: {  	s4 =	simm.s32 $0x1BF5;
	[smem:$0x3FB9] =	sst s0  }
0x18: {  	s0 =	sld [smem:$0x3F9C];
	_ =	swait.ge [sflag:s4], $0x0  }
0x19: {  	s7 =	sld [smem:$0x3F9D]  }
0x1a: {  	s8 =	sadd.s32 $0xFFFFE003, lr  }
0x1b: {  	s9 =	sadd.s32 $0xFFFFFEF7, lr;
	s5 =	simm.s32 $0xFFFFFFFF;
	p2 =	slt.u32 s8, $0xFFFFF086  }
0x1c: {  	p1 =	slt.u32 s9, $0xF7A;
	s5 =	simm.s32 @!p2 $0x0  }
0x1d: {  	s5 =	simm.s32 @p1 $0x1;
	p0 =	seq.s32 s7, s2  }
0x1e: {  	s7 =	smul.u32 @!p0 $0xF7A, s2;
	p2 =	seq.s32 @!p0 s5, $0x0  }
0x1f: {  	s9 =	smul.u32 $0xF7A, s1;
	s8 =	simm.s32 @!p0 $0x1BF5;
	p2 =	por !p2, p0  }
0x20: {  	[sflag:s8] =	ssyncset.s32 @!p0 $0xFFFFF086;
	s6 =	sadd.s32 @!p0 s3, s7;
	s7 =	simm.s32 @!p0 $0x108  }
0x21: {  	s3 =	sadd.s32 s3, s9;
	s6 =	sadd.s32 @!p0 $0x88, s6;
	s7 =	simm.s32 @p2 $0x1082  }
0x22: {  	[simem:s7], [sflag:s8] =	dma.local @!p0 [hbm:s6], $0xF7A  }
0x23: {  	s9 =	sor.u32 $0xD0000000, s2;
	s6 =	simm.s32 $0x108;
	_ =	swait.ge @!p0 [sflag:s8], $0x0  }
0x24: {  	s3 =	sadd.s32 $0x88, s3;
	s6 =	simm.s32 @!p1 $0x1082;
	[sflag:s4] =	ssyncset.s32 $0xFFFFF086  }
0x25: {  	[simem:s6], [sflag:s4] =	dma.local [hbm:s3], $0xF7A  }
0x26: {  	[smem:$0x3F9D] =	sst s1;
	(tag) =	ssettag s2;
	_ =	strace s9  }
0x27: {  	s1 =	sld [smem:$0x3FAD]  }
0x28: {  	s2 =	sld [smem:$0x3FAE]  }
0x29: {  	s4 =	sld [smem:$0x3FB0]  }
0x2a: {  	p0 =	seq.s32 s5, $0x0;
	s5 =	sld [smem:$0x3FB1]  }
0x2b: {  	s6 =	sld [smem:$0x3FB2]  }
0x2c: {  	s7 =	sld [smem:$0x3FB3]  }
0x2d: {  	s3 =	simm.s32 $0x108;
	s8 =	sld [smem:$0x3FB4]  }
0x2e: {  	s3 =	simm.s32 @!p0 $0x1082;
	s9 =	sld [smem:$0x3FB5]  }
0x2f: {  	lr =	sadd.s32 s0, s3;
	s0 =	sld [smem:$0x3FAC]  }
0x30: {  	s3 =	sld [smem:$0x3FAF]  }
0x31: {  	[smem:$0x3FB8] =	sst s10  }
0x32: {  	s10 =	sld [smem:$0x3FB6];
	_ =	sdelay $0x3  }
0x33: {  	p0 =	seq.s32 s10, $0x1;
	s10 =	sld [smem:$0x3FB8];
	_ =	sdelay $0x3  }
0x34: {  	[smem:$0x3FB8] =	sst s10  }
0x35: {  	s10 =	sld [smem:$0x3FB7];
	_ =	sdelay $0x3  }
0x36: {  	p1 =	seq.s32 s10, $0x1;
	s10 =	sld [smem:$0x3FB8];
	_ =	sdelay $0x3  }
0x37: {  	[smem:$0x3FB8] =	sst s10  }
0x38: {  	s10 =	sld [smem:$0x3FB9]  }
0x39: {  	_ = 	snop;
	(pc) =	sbr.ind lr, $3  }
0x3a: {  	_ = 	snop  }
0x3b: {  	_ = 	snop  }
0x3c: {  	p2 =	seq.s32 s10, $0x1;
	s10 =	sld [smem:$0x3FB8]  }
0x3d: {  	_ =	shalt  }
0x3e: {  	_ =	shalt  }
0x3f: {  	_ =	shalt  }
0x40: {  	_ =	shalt  }
0x41: {  	_ =	shalt  }
0x42: {  	_ =	shalt  }
0x43: {  	_ =	shalt  }
0x44: {  	_ =	shalt  }
0x45: {  	_ =	shalt  }
0x46: {  	_ =	shalt  }
0x47: {  	_ =	shalt  }
0x48: {  	_ =	shalt  }
0x49: {  	_ =	shalt  }
0x4a: {  	_ =	shalt  }
0x4b: {  	_ =	shalt  }
0x4c: {  	_ =	shalt  }
0x4d: {  	_ =	shalt  }
0x4e: {  	_ =	shalt  }
0x4f: {  	_ =	shalt  }
0x50: {  	_ =	shalt  }
0x51: {  	_ =	shalt  }
0x52: {  	_ =	shalt  }
0x53: {  	_ =	shalt  }
0x54: {  	_ =	shalt  }
0x55: {  	_ =	shalt  }
0x56: {  	_ =	shalt  }
0x57: {  	_ =	shalt  }
0x58: {  	_ =	shalt  }
0x59: {  	_ =	shalt  }
0x5a: {  	_ =	shalt  }
0x5b: {  	_ =	shalt  }
0x5c: {  	_ =	shalt  }
0x5d: {  	_ =	shalt  }
0x5e: {  	_ =	shalt  }
0x5f: {  	_ =	shalt  }
0x60: {  	_ =	shalt  }
0x61: {  	_ =	shalt  }
0x62: {  	_ =	shalt  }
0x63: {  	_ =	shalt  }
0x64: {  	_ =	shalt  }
0x65: {  	_ =	shalt  }
0x66: {  	_ =	shalt  }
0x67: {  	_ =	shalt  }
0x68: {  	_ =	shalt  }
0x69: {  	_ =	shalt  }
0x6a: {  	_ =	shalt  }
0x6b: {  	_ =	shalt  }
0x6c: {  	_ =	shalt  }
0x6d: {  	_ =	shalt  }
0x6e: {  	_ =	shalt  }
0x6f: {  	_ =	shalt  }
0x70: {  	_ =	shalt  }
0x71: {  	_ =	shalt  }
0x72: {  	_ =	shalt  }
0x73: {  	_ =	shalt  }
0x74: {  	_ =	shalt  }
0x75: {  	_ =	shalt  }
0x76: {  	_ =	shalt  }
0x77: {  	_ =	shalt  }
0x78: {  	_ =	shalt  }
0x79: {  	_ =	shalt  }
0x7a: {  	_ =	shalt  }
0x7b: {  	_ =	shalt  }
0x7c: {  	_ =	shalt  }
0x7d: {  	_ =	shalt  }
0x7e: {  	_ =	shalt  }
0x7f: {  	_ =	shalt  }
0x80: {  	_ =	shalt  }
0x81: {  	_ =	shalt  }
0x82: {  	_ =	shalt  }
0x83: {  	_ =	shalt  }
0x84: {  	_ =	shalt  }
0x85: {  	_ =	shalt  }
0x86: {  	_ =	shalt  }
0x87: {  	_ =	shalt  }
.Lfunc_end0:
.L_simem_size_0:
called_computation_lowered:
.L_overlay_start_0:
0x88: {  	s2 =	sld [smem:$0x3FD9]  }
0x89: {  	s3 =	sld [smem:$0x3FFE];
	_ =	sdelay $0x1  }
0x8a: {  	s1 =	srdreg.scid  }
0x8b: {  	s0 =	sand.u32 $0x1, s1  }
0x8c: {  	s17 =	sshll.u32 s0, $0xA;
	s2 =	sadd.s32 s3, s2  }
0x8d: {  	s2 =	sadd.s32 s2, s17  }
0x8e: {  	[smem:$0x3FC4] =	sst s2  }
0x8f: {  	_ = 	snop  }
0x90: {  	s2 =	sld [smem:$0x3FD0];
	(tm) =	ssettm $0x1  }
0x91: {  	s18 =	sld [smem:$0x3FFB];
	_ =	sdelay $0x3  }
0x92: {  	_ =	strace s18  }
0x93: {  	s3 =	sld [smem:$0x3FFC];
	_ =	sdelay $0x3  }
0x94: {  	_ =	strace s3  }
0x95: {  	s3 =	sld [smem:$0x3FFD];
	_ =	sdelay $0x3  }
0x96: {  	_ =	strace s3  }
0x97: {  	_ =	strace $0x8FFFFFFF  }
0x98: {  	s19 =	sld [smem:$0x3FDB];
	_ =	sdelay $0x1  }
0x99: {  	s4 =	simm.s32 $_scs_section_size  }
0x9a: {  	s5 =	simm.s32 $_size__tile_overlayer_lowered;
	s6 =	simm.s32 $_tile_overlayer_lowered  }
0x9b: {  	s22 =	simm.s32 $0x1BFF;
	s21 =	sshll.u32 s6, $0x1;
	s3 =	sadd.s32 s4, s19  }
0x9c: {  	s7 =	simm.s32 $0x0;
	s20 =	sshll.u32 s5, $0x1;
	s5 =	sadd.s32 s21, s3  }
0x9d: {  	[timem:s7], [sflag:s22] =	dma.local [hbm:s5], s20  }
0x9e: {  	_ =	swait.ge [sflag:s22], s20  }
0x9f: {  	s4 =	ssub.s32 $0x0, s20;
	[sflag:s22] =	ssyncset.done $0x0  }
0xa0: {  	[sflag:s22] =	ssyncadd.s32 s4;
	_ =	sdelay $0x1  }
0xa1: {  	s23 =	simm.s32 $0x1B8B  }
0xa2: {  	_ =	swait.ge [sflag:s23], $0x1  }
0xa3: {  	[sflag:s23] =	ssyncset.done $0x0  }
0xa4: {  	s25 =	simm.s32 $0x1B8E;
	s24 =	sld [smem:$0x3FFE];
	[sflag:s23] =	ssyncadd.s32 $0xFFFFFFFF  }
0xa5: {  	s26 =	simm.s32 $execute0_lowered;
	[smem:$0x3FD2] =	sst s25  }
0xa6: {  	s5 =	sshll.u32 s26, $0x1;
	_ =	strace $0x80000046;
	[dreg:$0x1] =	wrdreg $0xFFFFFFFF  }
0xa7: {  	s28 =	simm.s32 $_size_execute0_lowered;
	s3 =	sadd.s32 s3, s5;
	[dreg:$0x0] =	wrdreg $0x0  }
0xa8: {  	s5 =	sshll.u32 s28, $0x1;
	[dreg:$0x2] =	wrdreg s3  }
0xa9: {  	[dreg:$0x3] =	wrdreg s5  }
0xaa: {  	[dreg:$0x4] =	wrdreg $0xC0  }
0xab: {  	_ =	task [dreg:s7], $0x5FFFF  }
0xac: {  	[dreg:$0x1] =	wrdreg $0xFFFFFFFF  }
0xad: {  	[dreg:$0x0] =	wrdreg $0x60  }
0xae: {  	[dreg:$0x2] =	wrdreg s24  }
0xaf: {  	[dreg:$0x3] =	wrdreg s2  }
0xb0: {  	[dreg:$0x4] =	wrdreg $0x54000  }
0xb1: {  	[dreg:$0x5] =	wrdreg $0x9  }
0xb2: {  	_ =	task.clear_ibuf [dreg:s7], $0x6FFFF;
	_ =	strace $0x90000046  }
0xb3: {  	s29 =	simm.s32 $0x9;
	_ =	strace $0x80000048  }
0xb4: {  	_ =	swait.ge [sflag:s29], $0x1  }
0xb5: {  	[sflag:s29] =	ssyncadd.s32 $0xFFFFFFFF  }
0xb6: {  	_ =	strace $0x90000048  }
0xb7: {  	_ =	sfence  }
0xb8: {  	s30 =	sld [smem:$0x0];
	_ =	sdelay $0x2  }
0xb9: {  	s31 =	sshll.u32 s1, $0xD;
	s1 =	sshrl.u32 s1, $0x2  }
0xba: {  	s3 =	sand.u32 $0x4000, s31;
	s1 =	sadd.s32 s1, s30  }
0xbb: {  	s0 =	sor.u32 s3, s0;
	s1 =	sshll.u32 s1, $0x11  }
0xbc: {  	s0 =	sor.u32 s1, s0  }
0xbd: {  	s0 =	sadd.s32 $0x8F2B, s0  }
0xbe: {  	[sflag:s0] =	ssyncadd.remote.s32 $0x1  }
0xbf: {  	_ =	sfence.sel $0xFFFF  }
0xc0: {  	[dreg:$0x0] =	wrdreg $0xFFFFFFFF;
	(pc) =	sbr.abs _section_cstart, $3  }
0xc1: {  	[dreg:$0x1] =	wrdreg $0xFFFFFFFF  }
0xc2: {  	_ =	task.clear_ibuf [dreg:s7], $0x2FFFF;
	_ =	strace $0x9FFFFFFF  }
0xc3: {  	(tm) =	ssettm $0x7FFFFFFF  }
tec
execute0_lowered:
.L_overlay_start_1:
0x0: {  	(tag) =	ssettag $0x1  }
0x1: {  	s0 =	srdreg.scid;
	s1 =	rddreg [dreg:$0x0]  }
0x2: {  	s3 =	rddreg [dreg:$0x1];
	s31 =	simm.s32 $0x0;
	s0 =	sand.u32 $0x1, s0  }
0x3: {  	s16 =	stileid.u32;
	[smem:$0x7FF] =	sst s31;
	s2 =	sshll.u32 s0, $0x4  }
0x4: {  	s7 =	sadd.s32 $0xA800, s1;
	s4 =	sor.u32 s16, s2;
	s2 =	rddreg [dreg:$0x2]  }
0x5: {  	s20 =	simm.s32 $0x100;
	_ =	strace $0x80000047;
	[dreg:$0x4] =	wrdreg s7  }
0x6: {  	s21 =	simm.s32 $0x180;
	[dreg:$0x8] =	wrdreg s20  }
0x7: {  	s22 =	simm.s32 $0x200;
	s23 =	simm.s32 $0x280;
	[dreg:$0x9] =	wrdreg s21  }
0x8: {  	s24 =	simm.s32 $0x300;
	s25 =	simm.s32 $0x380;
	[dreg:$0xa] =	wrdreg s22  }
0x9: {  	s9 =	simm.s32 $0x580;
	s11 =	simm.s32 $0x600;
	[dreg:$0xb] =	wrdreg s23  }
0xa: {  	s12 =	simm.s32 $0x680;
	s13 =	simm.s32 $0x700;
	[dreg:$0xc] =	wrdreg s24  }
0xb: {  	s14 =	simm.s32 $0x780;
	s28 =	simm.s32 $0xE00;
	[dreg:$0xd] =	wrdreg s25  }
0xc: {  	s29 =	simm.s32 $0xE80;
	s30 =	simm.s32 $0xF00;
	[dreg:$0x11] =	wrdreg s9  }
0xd: {  	p0 =	por $0x0, $0x0;
	s6 =	smul.u32 $0x13C00, s16;
	[dreg:$0x12] =	wrdreg s11  }
0xe: {  	s5 =	smul.u32 $0x13C000, s0;
	s0 =	ssub.s32 $0x2, s0;
	[dreg:$0x13] =	wrdreg s12  }
0xf: {  	s15 =	sshll.u32 s16, $0x6;
	s26 =	sshrl.u32 s0, $0x1;
	[dreg:$0x14] =	wrdreg s13  }
0x10: {  	s7 =	simm.s32 $0x500;
	[dreg:$0x15] =	wrdreg s14;
	s20 =	simm.s32 $0x980  }
0x11: {  	s9 =	simm.s32 $0x1;
	s21 =	simm.s32 $0xA00;
	[dreg:$0x10] =	wrdreg s7  }
0x12: {  	s22 =	simm.s32 $0xA80;
	s11 =	simm.s32 $0x3;
	[dreg:$0x19] =	wrdreg s20  }
0x13: {  	s23 =	simm.s32 $0xB00;
	s12 =	simm.s32 $0x4;
	[dreg:$0x1a] =	wrdreg s21  }
0x14: {  	s24 =	simm.s32 $0xB80;
	s13 =	simm.s32 $0x5;
	[dreg:$0x1b] =	wrdreg s22  }
0x15: {  	s25 =	simm.s32 $0xC00;
	s14 =	simm.s32 $0x6;
	[dreg:$0x1c] =	wrdreg s23  }
0x16: {  	s4 =	smul.u32 $0x280, s4;
	s5 =	sadd.s32 s6, s5;
	[dreg:$0x1d] =	wrdreg s24  }
0x17: {  	s6 =	simm.s32 $0x480;
	s0 =	ssub.s32 s0, s26;
	[dreg:$0x1e] =	wrdreg s25  }
0x18: {  	s26 =	simm.s32 $0xC80;
	s7 =	simm.s32 $0x8;
	s25 =	simm.s32 $0xD00  }
0x19: {  	s20 =	simm.s32 $0x1180;
	s21 =	simm.s32 $0x1200;
	s22 =	simm.s32 $0x1280  }
0x1a: {  	s23 =	simm.s32 $0x1300;
	s24 =	simm.s32 $0x1380;
	s18 =	sshrl.u32 s5, $0x3  }
0x1b: {  	s5 =	smul.u32 $0x4E200, s16;
	[dreg:$0xf] =	wrdreg s6;
	s0 =	smax.u32 s0, $0x1  }
0x1c: {  	s6 =	simm.s32 $0x1400;
	[dreg:$0x1f] =	wrdreg s26;
	s26 =	simm.s32 $0xD80  }
0x1d: {  	s4 =	sadd.s32 s4, s1;
	s1 =	sadd.s32 $0xB000, s1;
	s19 =	sadd.s32 s3, s18  }
0x1e: {  	s3 =	simm.s32 $0x9;
	s18 =	simm.s32 $0x880;
	[dreg:$0x5] =	wrdreg s1  }
0x1f: {  	p1 =	sne.s32 s0, $0x1;
	s17 =	sadd.s32 $0x800, s4;
	[dreg:$0x7] =	wrdreg s19  }
0x20: {  	s4 =	simm.s32 $0x400;
	s8 =	sshrl.u32 s5, $0x2;
	[dreg:$0x17] =	wrdreg s18  }
0x21: {  	s19 =	simm.s32 $0x900;
	s1 =	sadd.s32 $0xFFFFFFFF, s0;
	s0 =	rddreg [dreg:$0x4]  }
.Ltmp0:
0x22: {  	s18 =	simm.s32 $0x1080;
	[dreg:$0x6] =	wrdreg s17;
	(pc) =	sbr.rel @!p1 .LBB2_1-.Ltmp0, $4  }
0x23: {  	[dreg:$0xe] =	wrdreg s4;
	s10 =	sadd.s32 s8, s2;
	s17 =	simm.s32 $0x800  }
0x24: {  	s4 =	sor.u32 $0x1C09, s15;
	s8 =	simm.s32 $0x80;
	[dreg:$0x18] =	wrdreg s19  }
0x25: {  	s15 =	simm.s32 $0x7;
	s19 =	simm.s32 $0x1100;
	[dreg:$0x16] =	wrdreg s17  }
0x26: {  	s5 =	sshrl.u32 s10, $0x3;
	s10 =	simm.s32 $0x2;
	s17 =	simm.s32 $0xF80  }
0x27: {  	[tilespmem:s6], [sflag:$0x9] =	stream.linear.gather [hbm4b:s0+s31], $0x4000, $0x38;
	[tilespmem:$0x19080] =	vst v63  }
0x28: {  	_ =	swait.ge [sflag:s3], $0x4000  }
0x29: {  	[sflag:s3] =	ssyncset.done $0x0  }
0x2a: {  	s16 =	rddreg [dreg:$0x6];
	[sflag:s3] =	ssyncadd.s32 $0xFFFFC000  }
0x2b: {  	[tilespmem:s31], [sflag:$0x9] =	stream.linear.gather [hbm4b:s16+s31], $0x1400, $0x38;
	[tilespmem:$0x19080] =	vst v63  }
0x2c: {  	_ =	swait.ge [sflag:s3], $0x1400  }
0x2d: {  	[sflag:s3] =	ssyncset.done $0x0  }
0x2e: {  	s16 =	rddreg [dreg:$0x5];
	[sflag:s3] =	ssyncadd.s32 $0xFFFFEC00  }
0x2f: {  	[spmem:s5], [sflag:s4] =	dma.local [hbm:s16], $0x2710  }
0x30: {  	_ =	swait.ge [sflag:s3], $0x2710  }
0x31: {  	[sflag:s3] =	ssyncset.done $0x0  }
0x32: {  	[sflag:s3] =	ssyncadd.s32 $0xFFFFD8F0  }
0x33: {  	[bflag:$0x0] =	sbarrier.arrive $0xFFFF  }
0x34: {  	[spmem:s2] =	stream.indirect.scatter.add.f32 [tilespmem:s6], [sflag:$0x1], $0x80, s31, s8, $0xb8;
	[tilespmem:$0x19080] =	vst v63  }
0x35: {  	_ = 	snop  }
0x36: {  	[spmem:s2] =	stream.indirect.scatter.add.f32 [tilespmem:s6], [sflag:$0x2], $0x80, s8, s8, $0xb8;
	[tilespmem:$0x19080] =	vst v63  }
0x37: {  	s0 =	rddreg [dreg:$0x8]  }
0x38: {  	[spmem:s2] =	stream.indirect.scatter.add.f32 [tilespmem:s6], [sflag:$0x3], $0x80, s0, s8, $0xb8;
	[tilespmem:$0x19080] =	vst v63  }
0x39: {  	s16 =	smov.u32 s1;
	s1 =	rddreg [dreg:$0x9]  }
0x3a: {  	[spmem:s2] =	stream.indirect.scatter.add.f32 [tilespmem:s6], [sflag:$0x4], $0x80, s1, s8, $0xb8;
	[tilespmem:$0x19080] =	vst v63  }
0x3b: {  	s0 =	rddreg [dreg:$0xa]  }
0x3c: {  	[spmem:s2] =	stream.indirect.scatter.add.f32 [tilespmem:s6], [sflag:$0x5], $0x80, s0, s8, $0xb8;
	[tilespmem:$0x19080] =	vst v63  }
0x3d: {  	s1 =	rddreg [dreg:$0xb]  }
0x3e: {  	[spmem:s2] =	stream.indirect.scatter.add.f32 [tilespmem:s6], [sflag:$0x6], $0x80, s1, s8, $0xb8;
	[tilespmem:$0x19080] =	vst v63  }
0x3f: {  	s0 =	rddreg [dreg:$0xc]  }
0x40: {  	[spmem:s2] =	stream.indirect.scatter.add.f32 [tilespmem:s6], [sflag:$0x7], $0x80, s0, s8, $0xb8;
	[tilespmem:$0x19080] =	vst v63  }
0x41: {  	s1 =	rddreg [dreg:$0xd]  }
0x42: {  	[spmem:s2] =	stream.indirect.scatter.add.f32 [tilespmem:s6], [sflag:$0x8], $0x80, s1, s8, $0xb8;
	[tilespmem:$0x19080] =	vst v63  }
0x43: {  	_ =	swait.ge [sflag:s9], $0x4000  }
0x44: {  	[sflag:s9] =	ssyncset.done $0x0  }
0x45: {  	[sflag:s9] =	ssyncadd.s32 $0xFFFFC000  }
0x46: {  	_ =	swait.ge [sflag:s10], $0x4000  }
0x47: {  	[sflag:s10] =	ssyncset.done $0x0  }
0x48: {  	[sflag:s10] =	ssyncadd.s32 $0xFFFFC000  }
0x49: {  	_ =	swait.ge [sflag:s11], $0x4000  }
0x4a: {  	[sflag:s11] =	ssyncset.done $0x0  }
0x4b: {  	[sflag:s11] =	ssyncadd.s32 $0xFFFFC000  }
0x4c: {  	_ =	swait.ge [sflag:s12], $0x4000  }
0x4d: {  	[sflag:s12] =	ssyncset.done $0x0  }
0x4e: {  	[sflag:s12] =	ssyncadd.s32 $0xFFFFC000  }
0x4f: {  	_ =	swait.ge [sflag:s13], $0x4000  }
0x50: {  	[sflag:s13] =	ssyncset.done $0x0  }
0x51: {  	[sflag:s13] =	ssyncadd.s32 $0xFFFFC000  }
0x52: {  	_ =	swait.ge [sflag:s14], $0x4000  }
0x53: {  	[sflag:s14] =	ssyncset.done $0x0  }
0x54: {  	[sflag:s14] =	ssyncadd.s32 $0xFFFFC000  }
0x55: {  	_ =	swait.ge [sflag:s15], $0x4000  }
0x56: {  	[sflag:s15] =	ssyncset.done $0x0  }
0x57: {  	[sflag:s15] =	ssyncadd.s32 $0xFFFFC000  }
0x58: {  	_ =	swait.ge [sflag:s7], $0x4000  }
0x59: {  	[sflag:s7] =	ssyncset.done $0x0  }
0x5a: {  	s0 =	rddreg [dreg:$0xe];
	[sflag:s7] =	ssyncadd.s32 $0xFFFFC000  }
0x5b: {  	[spmem:s2] =	stream.indirect.scatter.add.f32 [tilespmem:s6], [sflag:$0x1], $0x80, s0, s8, $0xb8;
	[tilespmem:$0x19080] =	vst v63  }
0x5c: {  	s1 =	rddreg [dreg:$0xf]  }
0x5d: {  	[spmem:s2] =	stream.indirect.scatter.add.f32 [tilespmem:s6], [sflag:$0x2], $0x80, s1, s8, $0xb8;
	[tilespmem:$0x19080] =	vst v63  }
0x5e: {  	s0 =	rddreg [dreg:$0x10]  }
0x5f: {  	[spmem:s2] =	stream.indirect.scatter.add.f32 [tilespmem:s6], [sflag:$0x3], $0x80, s0, s8, $0xb8;
	[tilespmem:$0x19080] =	vst v63  }
0x60: {  	s1 =	rddreg [dreg:$0x11]  }
0x61: {  	[spmem:s2] =	stream.indirect.scatter.add.f32 [tilespmem:s6], [sflag:$0x4], $0x80, s1, s8, $0xb8;
	[tilespmem:$0x19080] =	vst v63  }
0x62: {  	s0 =	rddreg [dreg:$0x12]  }
0x63: {  	[spmem:s2] =	stream.indirect.scatter.add.f32 [tilespmem:s6], [sflag:$0x5], $0x80, s0, s8, $0xb8;
	[tilespmem:$0x19080] =	vst v63  }
0x64: {  	s1 =	rddreg [dreg:$0x13]  }
0x65: {  	[spmem:s2] =	stream.indirect.scatter.add.f32 [tilespmem:s6], [sflag:$0x6], $0x80, s1, s8, $0xb8;
	[tilespmem:$0x19080] =	vst v63  }
0x66: {  	s0 =	rddreg [dreg:$0x14]  }
0x67: {  	[spmem:s2] =	stream.indirect.scatter.add.f32 [tilespmem:s6], [sflag:$0x7], $0x80, s0, s8, $0xb8;
	[tilespmem:$0x19080] =	vst v63  }
0x68: {  	s1 =	rddreg [dreg:$0x15]  }
0x69: {  	[spmem:s2] =	stream.indirect.scatter.add.f32 [tilespmem:s6], [sflag:$0x8], $0x80, s1, s8, $0xb8;
	[tilespmem:$0x19080] =	vst v63  }
0x6a: {  	_ =	swait.ge [sflag:s9], $0x4000  }
0x6b: {  	[sflag:s9] =	ssyncset.done $0x0  }
0x6c: {  	[sflag:s9] =	ssyncadd.s32 $0xFFFFC000  }
0x6d: {  	_ =	swait.ge [sflag:s10], $0x4000  }
0x6e: {  	[sflag:s10] =	ssyncset.done $0x0  }
0x6f: {  	[sflag:s10] =	ssyncadd.s32 $0xFFFFC000  }
0x70: {  	_ =	swait.ge [sflag:s11], $0x4000  }
0x71: {  	[sflag:s11] =	ssyncset.done $0x0  }
0x72: {  	[sflag:s11] =	ssyncadd.s32 $0xFFFFC000  }
0x73: {  	_ =	swait.ge [sflag:s12], $0x4000  }
0x74: {  	[sflag:s12] =	ssyncset.done $0x0  }
0x75: {  	[sflag:s12] =	ssyncadd.s32 $0xFFFFC000  }
0x76: {  	_ =	swait.ge [sflag:s13], $0x4000  }
0x77: {  	[sflag:s13] =	ssyncset.done $0x0  }
0x78: {  	[sflag:s13] =	ssyncadd.s32 $0xFFFFC000  }
0x79: {  	_ =	swait.ge [sflag:s14], $0x4000  }
0x7a: {  	[sflag:s14] =	ssyncset.done $0x0  }
0x7b: {  	[sflag:s14] =	ssyncadd.s32 $0xFFFFC000  }
0x7c: {  	_ =	swait.ge [sflag:s15], $0x4000  }
0x7d: {  	[sflag:s15] =	ssyncset.done $0x0  }
0x7e: {  	[sflag:s15] =	ssyncadd.s32 $0xFFFFC000  }
0x7f: {  	_ =	swait.ge [sflag:s7], $0x4000  }
0x80: {  	[sflag:s7] =	ssyncset.done $0x0  }
0x81: {  	s0 =	rddreg [dreg:$0x16];
	[sflag:s7] =	ssyncadd.s32 $0xFFFFC000  }
0x82: {  	[spmem:s2] =	stream.indirect.scatter.add.f32 [tilespmem:s6], [sflag:$0x1], $0x80, s0, s8, $0xb8;
	[tilespmem:$0x19080] =	vst v63  }
0x83: {  	s1 =	rddreg [dreg:$0x17]  }
0x84: {  	[spmem:s2] =	stream.indirect.scatter.add.f32 [tilespmem:s6], [sflag:$0x2], $0x80, s1, s8, $0xb8;
	[tilespmem:$0x19080] =	vst v63  }
0x85: {  	s0 =	rddreg [dreg:$0x18]  }
0x86: {  	[spmem:s2] =	stream.indirect.scatter.add.f32 [tilespmem:s6], [sflag:$0x3], $0x80, s0, s8, $0xb8;
	[tilespmem:$0x19080] =	vst v63  }
0x87: {  	s1 =	rddreg [dreg:$0x19]  }
0x88: {  	[spmem:s2] =	stream.indirect.scatter.add.f32 [tilespmem:s6], [sflag:$0x4], $0x80, s1, s8, $0xb8;
	[tilespmem:$0x19080] =	vst v63  }
0x89: {  	s0 =	rddreg [dreg:$0x1a]  }
0x8a: {  	[spmem:s2] =	stream.indirect.scatter.add.f32 [tilespmem:s6], [sflag:$0x5], $0x80, s0, s8, $0xb8;
	[tilespmem:$0x19080] =	vst v63  }
0x8b: {  	s1 =	rddreg [dreg:$0x1b]  }
0x8c: {  	[spmem:s2] =	stream.indirect.scatter.add.f32 [tilespmem:s6], [sflag:$0x6], $0x80, s1, s8, $0xb8;
	[tilespmem:$0x19080] =	vst v63  }
0x8d: {  	s0 =	rddreg [dreg:$0x1c]  }
0x8e: {  	[spmem:s2] =	stream.indirect.scatter.add.f32 [tilespmem:s6], [sflag:$0x7], $0x80, s0, s8, $0xb8;
	[tilespmem:$0x19080] =	vst v63  }
0x8f: {  	s1 =	rddreg [dreg:$0x1d]  }
0x90: {  	[spmem:s2] =	stream.indirect.scatter.add.f32 [tilespmem:s6], [sflag:$0x8], $0x80, s1, s8, $0xb8;
	[tilespmem:$0x19080] =	vst v63  }
0x91: {  	_ =	swait.ge [sflag:s9], $0x4000  }
0x92: {  	[sflag:s9] =	ssyncset.done $0x0  }
0x93: {  	[sflag:s9] =	ssyncadd.s32 $0xFFFFC000  }
0x94: {  	_ =	swait.ge [sflag:s10], $0x4000  }
0x95: {  	[sflag:s10] =	ssyncset.done $0x0  }
0x96: {  	[sflag:s10] =	ssyncadd.s32 $0xFFFFC000  }
0x97: {  	_ =	swait.ge [sflag:s11], $0x4000  }
0x98: {  	[sflag:s11] =	ssyncset.done $0x0  }
0x99: {  	[sflag:s11] =	ssyncadd.s32 $0xFFFFC000  }
0x9a: {  	_ =	swait.ge [sflag:s12], $0x4000  }
0x9b: {  	[sflag:s12] =	ssyncset.done $0x0  }
0x9c: {  	[sflag:s12] =	ssyncadd.s32 $0xFFFFC000  }
0x9d: {  	_ =	swait.ge [sflag:s13], $0x4000  }
0x9e: {  	[sflag:s13] =	ssyncset.done $0x0  }
0x9f: {  	[sflag:s13] =	ssyncadd.s32 $0xFFFFC000  }
0xa0: {  	_ =	swait.ge [sflag:s14], $0x4000  }
0xa1: {  	[sflag:s14] =	ssyncset.done $0x0  }
0xa2: {  	[sflag:s14] =	ssyncadd.s32 $0xFFFFC000  }
0xa3: {  	_ =	swait.ge [sflag:s15], $0x4000  }
0xa4: {  	[sflag:s15] =	ssyncset.done $0x0  }
0xa5: {  	[sflag:s15] =	ssyncadd.s32 $0xFFFFC000  }
0xa6: {  	_ =	swait.ge [sflag:s7], $0x4000  }
0xa7: {  	[sflag:s7] =	ssyncset.done $0x0  }
0xa8: {  	s0 =	rddreg [dreg:$0x1e];
	[sflag:s7] =	ssyncadd.s32 $0xFFFFC000  }
0xa9: {  	[spmem:s2] =	stream.indirect.scatter.add.f32 [tilespmem:s6], [sflag:$0x1], $0x80, s0, s8, $0xb8;
	[tilespmem:$0x19080] =	vst v63  }
0xaa: {  	s1 =	rddreg [dreg:$0x1f]  }
0xab: {  	[spmem:s2] =	stream.indirect.scatter.add.f32 [tilespmem:s6], [sflag:$0x2], $0x80, s1, s8, $0xb8;
	[tilespmem:$0x19080] =	vst v63  }
0xac: {  	_ = 	snop  }
0xad: {  	[spmem:s2] =	stream.indirect.scatter.add.f32 [tilespmem:s6], [sflag:$0x3], $0x80, s25, s8, $0xb8;
	[tilespmem:$0x19080] =	vst v63  }
0xae: {  	_ = 	snop  }
0xaf: {  	[spmem:s2] =	stream.indirect.scatter.add.f32 [tilespmem:s6], [sflag:$0x4], $0x80, s26, s8, $0xb8;
	[tilespmem:$0x19080] =	vst v63  }
0xb0: {  	_ = 	snop  }
0xb1: {  	[spmem:s2] =	stream.indirect.scatter.add.f32 [tilespmem:s6], [sflag:$0x5], $0x80, s28, s8, $0xb8;
	[tilespmem:$0x19080] =	vst v63  }
0xb2: {  	_ = 	snop  }
0xb3: {  	[spmem:s2] =	stream.indirect.scatter.add.f32 [tilespmem:s6], [sflag:$0x6], $0x80, s29, s8, $0xb8;
	[tilespmem:$0x19080] =	vst v63  }
0xb4: {  	_ = 	snop  }
0xb5: {  	[spmem:s2] =	stream.indirect.scatter.add.f32 [tilespmem:s6], [sflag:$0x7], $0x80, s30, s8, $0xb8;
	[tilespmem:$0x19080] =	vst v63  }
0xb6: {  	_ = 	snop  }
0xb7: {  	[spmem:s2] =	stream.indirect.scatter.add.f32 [tilespmem:s6], [sflag:$0x8], $0x80, s17, s8, $0xb8;
	[tilespmem:$0x19080] =	vst v63  }
0xb8: {  	_ =	swait.ge [sflag:s9], $0x4000  }
0xb9: {  	[sflag:s9] =	ssyncset.done $0x0  }
0xba: {  	[sflag:s9] =	ssyncadd.s32 $0xFFFFC000  }
0xbb: {  	_ =	swait.ge [sflag:s10], $0x4000  }
0xbc: {  	[sflag:s10] =	ssyncset.done $0x0  }
0xbd: {  	[sflag:s10] =	ssyncadd.s32 $0xFFFFC000  }
0xbe: {  	_ =	swait.ge [sflag:s11], $0x4000  }
0xbf: {  	[sflag:s11] =	ssyncset.done $0x0  }
0xc0: {  	[sflag:s11] =	ssyncadd.s32 $0xFFFFC000  }
0xc1: {  	_ =	swait.ge [sflag:s12], $0x4000  }
0xc2: {  	[sflag:s12] =	ssyncset.done $0x0  }
0xc3: {  	[sflag:s12] =	ssyncadd.s32 $0xFFFFC000  }
0xc4: {  	_ =	swait.ge [sflag:s13], $0x4000  }
0xc5: {  	[sflag:s13] =	ssyncset.done $0x0  }
0xc6: {  	[sflag:s13] =	ssyncadd.s32 $0xFFFFC000  }
0xc7: {  	_ =	swait.ge [sflag:s14], $0x4000  }
0xc8: {  	[sflag:s14] =	ssyncset.done $0x0  }
0xc9: {  	[sflag:s14] =	ssyncadd.s32 $0xFFFFC000  }
0xca: {  	_ =	swait.ge [sflag:s15], $0x4000  }
0xcb: {  	[sflag:s15] =	ssyncset.done $0x0  }
0xcc: {  	[sflag:s15] =	ssyncadd.s32 $0xFFFFC000  }
0xcd: {  	_ =	swait.ge [sflag:s7], $0x4000  }
0xce: {  	[sflag:s7] =	ssyncset.done $0x0  }
0xcf: {  	s1 =	simm.s32 $0x1000;
	[sflag:s7] =	ssyncadd.s32 $0xFFFFC000  }
0xd0: {  	[spmem:s2] =	stream.indirect.scatter.add.f32 [tilespmem:s6], [sflag:$0x1], $0x80, s1, s8, $0xb8;
	[tilespmem:$0x19080] =	vst v63  }
0xd1: {  	_ = 	snop  }
0xd2: {  	[spmem:s2] =	stream.indirect.scatter.add.f32 [tilespmem:s6], [sflag:$0x2], $0x80, s18, s8, $0xb8;
	[tilespmem:$0x19080] =	vst v63  }
0xd3: {  	_ = 	snop  }
0xd4: {  	[spmem:s2] =	stream.indirect.scatter.add.f32 [tilespmem:s6], [sflag:$0x3], $0x80, s19, s8, $0xb8;
	[tilespmem:$0x19080] =	vst v63  }
0xd5: {  	_ = 	snop  }
0xd6: {  	[spmem:s2] =	stream.indirect.scatter.add.f32 [tilespmem:s6], [sflag:$0x4], $0x80, s20, s8, $0xb8;
	[tilespmem:$0x19080] =	vst v63  }
0xd7: {  	_ = 	snop  }
0xd8: {  	[spmem:s2] =	stream.indirect.scatter.add.f32 [tilespmem:s6], [sflag:$0x5], $0x80, s21, s8, $0xb8;
	[tilespmem:$0x19080] =	vst v63  }
0xd9: {  	_ = 	snop  }
0xda: {  	[spmem:s2] =	stream.indirect.scatter.add.f32 [tilespmem:s6], [sflag:$0x6], $0x80, s22, s8, $0xb8;
	[tilespmem:$0x19080] =	vst v63  }
0xdb: {  	_ = 	snop  }
0xdc: {  	[spmem:s2] =	stream.indirect.scatter.add.f32 [tilespmem:s6], [sflag:$0x7], $0x80, s23, s8, $0xb8;
	[tilespmem:$0x19080] =	vst v63  }
0xdd: {  	_ = 	snop  }
0xde: {  	[spmem:s2] =	stream.indirect.scatter.add.f32 [tilespmem:s6], [sflag:$0x8], $0x80, s24, s8, $0xb8;
	[tilespmem:$0x19080] =	vst v63  }
0xdf: {  	_ =	swait.ge [sflag:s9], $0x4000  }
0xe0: {  	[sflag:s9] =	ssyncset.done $0x0  }
0xe1: {  	[sflag:s9] =	ssyncadd.s32 $0xFFFFC000  }
0xe2: {  	_ =	swait.ge [sflag:s10], $0x4000  }
0xe3: {  	[sflag:s10] =	ssyncset.done $0x0  }
0xe4: {  	[sflag:s10] =	ssyncadd.s32 $0xFFFFC000  }
0xe5: {  	_ =	swait.ge [sflag:s11], $0x4000  }
0xe6: {  	[sflag:s11] =	ssyncset.done $0x0  }
0xe7: {  	[sflag:s11] =	ssyncadd.s32 $0xFFFFC000  }
0xe8: {  	_ =	swait.ge [sflag:s12], $0x4000  }
0xe9: {  	[sflag:s12] =	ssyncset.done $0x0  }
0xea: {  	[sflag:s12] =	ssyncadd.s32 $0xFFFFC000  }
0xeb: {  	_ =	swait.ge [sflag:s13], $0x4000  }
0xec: {  	[sflag:s13] =	ssyncset.done $0x0  }
0xed: {  	[sflag:s13] =	ssyncadd.s32 $0xFFFFC000  }
0xee: {  	_ =	swait.ge [sflag:s14], $0x4000  }
0xef: {  	[sflag:s14] =	ssyncset.done $0x0  }
0xf0: {  	[sflag:s14] =	ssyncadd.s32 $0xFFFFC000  }
0xf1: {  	_ =	swait.ge [sflag:s15], $0x4000  }
0xf2: {  	[sflag:s15] =	ssyncset.done $0x0  }
0xf3: {  	[sflag:s15] =	ssyncadd.s32 $0xFFFFC000  }
0xf4: {  	_ =	swait.ge [sflag:s7], $0x4000  }
0xf5: {  	[sflag:s7] =	ssyncset.done $0x0  }
0xf6: {  	p1 =	sne.s32 s16, $0x1;
	[sflag:s7] =	ssyncadd.s32 $0xFFFFC000  }
.Ltmp1:
0xf7: {  	[bflag:$0x0] =	sbarrier.arrive $0xFFFF;
	(pc) =	sbr.rel @!p1 .LBB2_3-.Ltmp1, $4  }
0xf8: {  	s1 =	rddreg [dreg:$0x7]  }
0xf9: {  	[hbm:s1], [sflag:s4] =	dma.local [spmem:s5], $0x2710  }
0xfa: {  	p0 =	por $0x1, $0x1;
	_ =	swait.ge [sflag:s3], $0x2710  }
0xfb: {  	s1 =	sadd.s32 $0xFFFFFFFF, s16;
	s0 =	rddreg [dreg:$0x4];
	[sflag:s3] =	ssyncset.done $0x0  }
.LBB2_4:
0xfc: {  	[sflag:s3] =	ssyncadd.s32 $0xFFFFD8F0  }
0xfd: {  	[tilespmem:s6], [sflag:$0x9] =	stream.linear.gather [hbm4b:s0+s31], $0x4000, $0x38;
	[tilespmem:$0x19080] =	vst v63  }
0xfe: {  	_ =	swait.ge [sflag:s3], $0x4000  }
0xff: {  	[sflag:s3] =	ssyncset.done $0x0  }
0x100: {  	s16 =	rddreg [dreg:$0x6];
	[sflag:s3] =	ssyncadd.s32 $0xFFFFC000  }
0x101: {  	[tilespmem:s31], [sflag:$0x9] =	stream.linear.gather [hbm4b:s16+s31], $0x1400, $0x38;
	[tilespmem:$0x19080] =	vst v63  }
0x102: {  	_ =	swait.ge [sflag:s3], $0x1400  }
0x103: {  	[sflag:s3] =	ssyncset.done $0x0  }
0x104: {  	s16 =	rddreg [dreg:$0x5];
	[sflag:s3] =	ssyncadd.s32 $0xFFFFEC00  }
0x105: {  	[spmem:s5], [sflag:s4] =	dma.local [hbm:s16], $0x2710  }
0x106: {  	_ =	swait.ge [sflag:s3], $0x2710  }
0x107: {  	[sflag:s3] =	ssyncset.done $0x0  }
0x108: {  	[sflag:s3] =	ssyncadd.s32 $0xFFFFD8F0  }
0x109: {  	[bflag:$0x0] =	sbarrier.arrive $0xFFFF  }
0x10a: {  	[spmem:s2] =	stream.indirect.scatter.add.f32 [tilespmem:s6], [sflag:$0x1], $0x80, s31, s8, $0xb8;
	[tilespmem:$0x19080] =	vst v63  }
0x10b: {  	_ = 	snop  }
0x10c: {  	[spmem:s2] =	stream.indirect.scatter.add.f32 [tilespmem:s6], [sflag:$0x2], $0x80, s8, s8, $0xb8;
	[tilespmem:$0x19080] =	vst v63  }
0x10d: {  	s0 =	rddreg [dreg:$0x8]  }
0x10e: {  	[spmem:s2] =	stream.indirect.scatter.add.f32 [tilespmem:s6], [sflag:$0x3], $0x80, s0, s8, $0xb8;
	[tilespmem:$0x19080] =	vst v63  }
0x10f: {  	s16 =	rddreg [dreg:$0x9]  }
0x110: {  	[spmem:s2] =	stream.indirect.scatter.add.f32 [tilespmem:s6], [sflag:$0x4], $0x80, s16, s8, $0xb8;
	[tilespmem:$0x19080] =	vst v63  }
0x111: {  	s0 =	rddreg [dreg:$0xa]  }
0x112: {  	[spmem:s2] =	stream.indirect.scatter.add.f32 [tilespmem:s6], [sflag:$0x5], $0x80, s0, s8, $0xb8;
	[tilespmem:$0x19080] =	vst v63  }
0x113: {  	s16 =	rddreg [dreg:$0xb]  }
0x114: {  	[spmem:s2] =	stream.indirect.scatter.add.f32 [tilespmem:s6], [sflag:$0x6], $0x80, s16, s8, $0xb8;
	[tilespmem:$0x19080] =	vst v63  }
0x115: {  	s0 =	rddreg [dreg:$0xc]  }
0x116: {  	[spmem:s2] =	stream.indirect.scatter.add.f32 [tilespmem:s6], [sflag:$0x7], $0x80, s0, s8, $0xb8;
	[tilespmem:$0x19080] =	vst v63  }
0x117: {  	s16 =	rddreg [dreg:$0xd]  }
0x118: {  	[spmem:s2] =	stream.indirect.scatter.add.f32 [tilespmem:s6], [sflag:$0x8], $0x80, s16, s8, $0xb8;
	[tilespmem:$0x19080] =	vst v63  }
0x119: {  	_ =	swait.ge [sflag:s9], $0x4000  }
0x11a: {  	[sflag:s9] =	ssyncset.done $0x0  }
0x11b: {  	[sflag:s9] =	ssyncadd.s32 $0xFFFFC000  }
0x11c: {  	_ =	swait.ge [sflag:s10], $0x4000  }
0x11d: {  	[sflag:s10] =	ssyncset.done $0x0  }
0x11e: {  	[sflag:s10] =	ssyncadd.s32 $0xFFFFC000  }
0x11f: {  	_ =	swait.ge [sflag:s11], $0x4000  }
0x120: {  	[sflag:s11] =	ssyncset.done $0x0  }
0x121: {  	[sflag:s11] =	ssyncadd.s32 $0xFFFFC000  }
0x122: {  	_ =	swait.ge [sflag:s12], $0x4000  }
0x123: {  	[sflag:s12] =	ssyncset.done $0x0  }
0x124: {  	[sflag:s12] =	ssyncadd.s32 $0xFFFFC000  }
0x125: {  	_ =	swait.ge [sflag:s13], $0x4000  }
0x126: {  	[sflag:s13] =	ssyncset.done $0x0  }
0x127: {  	[sflag:s13] =	ssyncadd.s32 $0xFFFFC000  }
0x128: {  	_ =	swait.ge [sflag:s14], $0x4000  }
0x129: {  	[sflag:s14] =	ssyncset.done $0x0  }
0x12a: {  	[sflag:s14] =	ssyncadd.s32 $0xFFFFC000  }
0x12b: {  	_ =	swait.ge [sflag:s15], $0x4000  }
0x12c: {  	[sflag:s15] =	ssyncset.done $0x0  }
0x12d: {  	[sflag:s15] =	ssyncadd.s32 $0xFFFFC000  }
0x12e: {  	_ =	swait.ge [sflag:s7], $0x4000  }
0x12f: {  	[sflag:s7] =	ssyncset.done $0x0  }
0x130: {  	s0 =	rddreg [dreg:$0xe];
	[sflag:s7] =	ssyncadd.s32 $0xFFFFC000  }
0x131: {  	[spmem:s2] =	stream.indirect.scatter.add.f32 [tilespmem:s6], [sflag:$0x1], $0x80, s0, s8, $0xb8;
	[tilespmem:$0x19080] =	vst v63  }
0x132: {  	s16 =	rddreg [dreg:$0xf]  }
0x133: {  	[spmem:s2] =	stream.indirect.scatter.add.f32 [tilespmem:s6], [sflag:$0x2], $0x80, s16, s8, $0xb8;
	[tilespmem:$0x19080] =	vst v63  }
0x134: {  	s0 =	rddreg [dreg:$0x10]  }
0x135: {  	[spmem:s2] =	stream.indirect.scatter.add.f32 [tilespmem:s6], [sflag:$0x3], $0x80, s0, s8, $0xb8;
	[tilespmem:$0x19080] =	vst v63  }
0x136: {  	s16 =	rddreg [dreg:$0x11]  }
0x137: {  	[spmem:s2] =	stream.indirect.scatter.add.f32 [tilespmem:s6], [sflag:$0x4], $0x80, s16, s8, $0xb8;
	[tilespmem:$0x19080] =	vst v63  }
0x138: {  	s0 =	rddreg [dreg:$0x12]  }
0x139: {  	[spmem:s2] =	stream.indirect.scatter.add.f32 [tilespmem:s6], [sflag:$0x5], $0x80, s0, s8, $0xb8;
	[tilespmem:$0x19080] =	vst v63  }
0x13a: {  	s16 =	rddreg [dreg:$0x13]  }
0x13b: {  	[spmem:s2] =	stream.indirect.scatter.add.f32 [tilespmem:s6], [sflag:$0x6], $0x80, s16, s8, $0xb8;
	[tilespmem:$0x19080] =	vst v63  }
0x13c: {  	s0 =	rddreg [dreg:$0x14]  }
0x13d: {  	[spmem:s2] =	stream.indirect.scatter.add.f32 [tilespmem:s6], [sflag:$0x7], $0x80, s0, s8, $0xb8;
	[tilespmem:$0x19080] =	vst v63  }
0x13e: {  	s16 =	rddreg [dreg:$0x15]  }
0x13f: {  	[spmem:s2] =	stream.indirect.scatter.add.f32 [tilespmem:s6], [sflag:$0x8], $0x80, s16, s8, $0xb8;
	[tilespmem:$0x19080] =	vst v63  }
0x140: {  	_ =	swait.ge [sflag:s9], $0x4000  }
0x141: {  	[sflag:s9] =	ssyncset.done $0x0  }
0x142: {  	[sflag:s9] =	ssyncadd.s32 $0xFFFFC000  }
0x143: {  	_ =	swait.ge [sflag:s10], $0x4000  }
0x144: {  	[sflag:s10] =	ssyncset.done $0x0  }
0x145: {  	[sflag:s10] =	ssyncadd.s32 $0xFFFFC000  }
0x146: {  	_ =	swait.ge [sflag:s11], $0x4000  }
0x147: {  	[sflag:s11] =	ssyncset.done $0x0  }
0x148: {  	[sflag:s11] =	ssyncadd.s32 $0xFFFFC000  }
0x149: {  	_ =	swait.ge [sflag:s12], $0x4000  }
0x14a: {  	[sflag:s12] =	ssyncset.done $0x0  }
0x14b: {  	[sflag:s12] =	ssyncadd.s32 $0xFFFFC000  }
0x14c: {  	_ =	swait.ge [sflag:s13], $0x4000  }
0x14d: {  	[sflag:s13] =	ssyncset.done $0x0  }
0x14e: {  	[sflag:s13] =	ssyncadd.s32 $0xFFFFC000  }
0x14f: {  	_ =	swait.ge [sflag:s14], $0x4000  }
0x150: {  	[sflag:s14] =	ssyncset.done $0x0  }
0x151: {  	[sflag:s14] =	ssyncadd.s32 $0xFFFFC000  }
0x152: {  	_ =	swait.ge [sflag:s15], $0x4000  }
0x153: {  	[sflag:s15] =	ssyncset.done $0x0  }
0x154: {  	[sflag:s15] =	ssyncadd.s32 $0xFFFFC000  }
0x155: {  	_ =	swait.ge [sflag:s7], $0x4000  }
0x156: {  	[sflag:s7] =	ssyncset.done $0x0  }
0x157: {  	s0 =	rddreg [dreg:$0x16];
	[sflag:s7] =	ssyncadd.s32 $0xFFFFC000  }
0x158: {  	[spmem:s2] =	stream.indirect.scatter.add.f32 [tilespmem:s6], [sflag:$0x1], $0x80, s0, s8, $0xb8;
	[tilespmem:$0x19080] =	vst v63  }
0x159: {  	s16 =	rddreg [dreg:$0x17]  }
0x15a: {  	[spmem:s2] =	stream.indirect.scatter.add.f32 [tilespmem:s6], [sflag:$0x2], $0x80, s16, s8, $0xb8;
	[tilespmem:$0x19080] =	vst v63  }
0x15b: {  	s0 =	rddreg [dreg:$0x18]  }
0x15c: {  	[spmem:s2] =	stream.indirect.scatter.add.f32 [tilespmem:s6], [sflag:$0x3], $0x80, s0, s8, $0xb8;
	[tilespmem:$0x19080] =	vst v63  }
0x15d: {  	s16 =	rddreg [dreg:$0x19]  }
0x15e: {  	[spmem:s2] =	stream.indirect.scatter.add.f32 [tilespmem:s6], [sflag:$0x4], $0x80, s16, s8, $0xb8;
	[tilespmem:$0x19080] =	vst v63  }
0x15f: {  	s0 =	rddreg [dreg:$0x1a]  }
0x160: {  	[spmem:s2] =	stream.indirect.scatter.add.f32 [tilespmem:s6], [sflag:$0x5], $0x80, s0, s8, $0xb8;
	[tilespmem:$0x19080] =	vst v63  }
0x161: {  	s16 =	rddreg [dreg:$0x1b]  }
0x162: {  	[spmem:s2] =	stream.indirect.scatter.add.f32 [tilespmem:s6], [sflag:$0x6], $0x80, s16, s8, $0xb8;
	[tilespmem:$0x19080] =	vst v63  }
0x163: {  	s0 =	rddreg [dreg:$0x1c]  }
0x164: {  	[spmem:s2] =	stream.indirect.scatter.add.f32 [tilespmem:s6], [sflag:$0x7], $0x80, s0, s8, $0xb8;
	[tilespmem:$0x19080] =	vst v63  }
0x165: {  	s16 =	rddreg [dreg:$0x1d]  }
0x166: {  	[spmem:s2] =	stream.indirect.scatter.add.f32 [tilespmem:s6], [sflag:$0x8], $0x80, s16, s8, $0xb8;
	[tilespmem:$0x19080] =	vst v63  }
0x167: {  	_ =	swait.ge [sflag:s9], $0x4000  }
0x168: {  	[sflag:s9] =	ssyncset.done $0x0  }
0x169: {  	[sflag:s9] =	ssyncadd.s32 $0xFFFFC000  }
0x16a: {  	_ =	swait.ge [sflag:s10], $0x4000  }
0x16b: {  	[sflag:s10] =	ssyncset.done $0x0  }
0x16c: {  	[sflag:s10] =	ssyncadd.s32 $0xFFFFC000  }
0x16d: {  	_ =	swait.ge [sflag:s11], $0x4000  }
0x16e: {  	[sflag:s11] =	ssyncset.done $0x0  }
0x16f: {  	[sflag:s11] =	ssyncadd.s32 $0xFFFFC000  }
0x170: {  	_ =	swait.ge [sflag:s12], $0x4000  }
0x171: {  	[sflag:s12] =	ssyncset.done $0x0  }
0x172: {  	[sflag:s12] =	ssyncadd.s32 $0xFFFFC000  }
0x173: {  	_ =	swait.ge [sflag:s13], $0x4000  }
0x174: {  	[sflag:s13] =	ssyncset.done $0x0  }
0x175: {  	[sflag:s13] =	ssyncadd.s32 $0xFFFFC000  }
0x176: {  	_ =	swait.ge [sflag:s14], $0x4000  }
0x177: {  	[sflag:s14] =	ssyncset.done $0x0  }
0x178: {  	[sflag:s14] =	ssyncadd.s32 $0xFFFFC000  }
0x179: {  	_ =	swait.ge [sflag:s15], $0x4000  }
0x17a: {  	[sflag:s15] =	ssyncset.done $0x0  }
0x17b: {  	[sflag:s15] =	ssyncadd.s32 $0xFFFFC000  }
0x17c: {  	_ =	swait.ge [sflag:s7], $0x4000  }
0x17d: {  	[sflag:s7] =	ssyncset.done $0x0  }
0x17e: {  	s0 =	rddreg [dreg:$0x1e];
	[sflag:s7] =	ssyncadd.s32 $0xFFFFC000  }
0x17f: {  	[spmem:s2] =	stream.indirect.scatter.add.f32 [tilespmem:s6], [sflag:$0x1], $0x80, s0, s8, $0xb8;
	[tilespmem:$0x19080] =	vst v63  }
0x180: {  	s16 =	rddreg [dreg:$0x1f]  }
0x181: {  	[spmem:s2] =	stream.indirect.scatter.add.f32 [tilespmem:s6], [sflag:$0x2], $0x80, s16, s8, $0xb8;
	[tilespmem:$0x19080] =	vst v63  }
0x182: {  	_ = 	snop  }
0x183: {  	[spmem:s2] =	stream.indirect.scatter.add.f32 [tilespmem:s6], [sflag:$0x3], $0x80, s25, s8, $0xb8;
	[tilespmem:$0x19080] =	vst v63  }
0x184: {  	_ = 	snop  }
0x185: {  	[spmem:s2] =	stream.indirect.scatter.add.f32 [tilespmem:s6], [sflag:$0x4], $0x80, s26, s8, $0xb8;
	[tilespmem:$0x19080] =	vst v63  }
0x186: {  	_ = 	snop  }
0x187: {  	[spmem:s2] =	stream.indirect.scatter.add.f32 [tilespmem:s6], [sflag:$0x5], $0x80, s28, s8, $0xb8;
	[tilespmem:$0x19080] =	vst v63  }
0x188: {  	_ = 	snop  }
0x189: {  	[spmem:s2] =	stream.indirect.scatter.add.f32 [tilespmem:s6], [sflag:$0x6], $0x80, s29, s8, $0xb8;
	[tilespmem:$0x19080] =	vst v63  }
0x18a: {  	_ = 	snop  }
0x18b: {  	[spmem:s2] =	stream.indirect.scatter.add.f32 [tilespmem:s6], [sflag:$0x7], $0x80, s30, s8, $0xb8;
	[tilespmem:$0x19080] =	vst v63  }
0x18c: {  	_ = 	snop  }
0x18d: {  	[spmem:s2] =	stream.indirect.scatter.add.f32 [tilespmem:s6], [sflag:$0x8], $0x80, s17, s8, $0xb8;
	[tilespmem:$0x19080] =	vst v63  }
0x18e: {  	_ =	swait.ge [sflag:s9], $0x4000  }
0x18f: {  	[sflag:s9] =	ssyncset.done $0x0  }
0x190: {  	[sflag:s9] =	ssyncadd.s32 $0xFFFFC000  }
0x191: {  	_ =	swait.ge [sflag:s10], $0x4000  }
0x192: {  	[sflag:s10] =	ssyncset.done $0x0  }
0x193: {  	[sflag:s10] =	ssyncadd.s32 $0xFFFFC000  }
0x194: {  	_ =	swait.ge [sflag:s11], $0x4000  }
0x195: {  	[sflag:s11] =	ssyncset.done $0x0  }
0x196: {  	[sflag:s11] =	ssyncadd.s32 $0xFFFFC000  }
0x197: {  	_ =	swait.ge [sflag:s12], $0x4000  }
0x198: {  	[sflag:s12] =	ssyncset.done $0x0  }
0x199: {  	[sflag:s12] =	ssyncadd.s32 $0xFFFFC000  }
0x19a: {  	_ =	swait.ge [sflag:s13], $0x4000  }
0x19b: {  	[sflag:s13] =	ssyncset.done $0x0  }
0x19c: {  	[sflag:s13] =	ssyncadd.s32 $0xFFFFC000  }
0x19d: {  	_ =	swait.ge [sflag:s14], $0x4000  }
0x19e: {  	[sflag:s14] =	ssyncset.done $0x0  }
0x19f: {  	[sflag:s14] =	ssyncadd.s32 $0xFFFFC000  }
0x1a0: {  	_ =	swait.ge [sflag:s15], $0x4000  }
0x1a1: {  	[sflag:s15] =	ssyncset.done $0x0  }
0x1a2: {  	[sflag:s15] =	ssyncadd.s32 $0xFFFFC000  }
0x1a3: {  	_ =	swait.ge [sflag:s7], $0x4000  }
0x1a4: {  	[sflag:s7] =	ssyncset.done $0x0  }
0x1a5: {  	s16 =	simm.s32 $0x1000;
	[sflag:s7] =	ssyncadd.s32 $0xFFFFC000  }
0x1a6: {  	[spmem:s2] =	stream.indirect.scatter.add.f32 [tilespmem:s6], [sflag:$0x1], $0x80, s16, s8, $0xb8;
	[tilespmem:$0x19080] =	vst v63  }
0x1a7: {  	_ = 	snop  }
0x1a8: {  	[spmem:s2] =	stream.indirect.scatter.add.f32 [tilespmem:s6], [sflag:$0x2], $0x80, s18, s8, $0xb8;
	[tilespmem:$0x19080] =	vst v63  }
0x1a9: {  	_ = 	snop  }
0x1aa: {  	[spmem:s2] =	stream.indirect.scatter.add.f32 [tilespmem:s6], [sflag:$0x3], $0x80, s19, s8, $0xb8;
	[tilespmem:$0x19080] =	vst v63  }
0x1ab: {  	_ = 	snop  }
0x1ac: {  	[spmem:s2] =	stream.indirect.scatter.add.f32 [tilespmem:s6], [sflag:$0x4], $0x80, s20, s8, $0xb8;
	[tilespmem:$0x19080] =	vst v63  }
0x1ad: {  	_ = 	snop  }
0x1ae: {  	[spmem:s2] =	stream.indirect.scatter.add.f32 [tilespmem:s6], [sflag:$0x5], $0x80, s21, s8, $0xb8;
	[tilespmem:$0x19080] =	vst v63  }
0x1af: {  	_ = 	snop  }
0x1b0: {  	[spmem:s2] =	stream.indirect.scatter.add.f32 [tilespmem:s6], [sflag:$0x6], $0x80, s22, s8, $0xb8;
	[tilespmem:$0x19080] =	vst v63  }
0x1b1: {  	_ = 	snop  }
0x1b2: {  	[spmem:s2] =	stream.indirect.scatter.add.f32 [tilespmem:s6], [sflag:$0x7], $0x80, s23, s8, $0xb8;
	[tilespmem:$0x19080] =	vst v63  }
0x1b3: {  	_ = 	snop  }
0x1b4: {  	[spmem:s2] =	stream.indirect.scatter.add.f32 [tilespmem:s6], [sflag:$0x8], $0x80, s24, s8, $0xb8;
	[tilespmem:$0x19080] =	vst v63  }
0x1b5: {  	_ =	swait.ge [sflag:s9], $0x4000  }
0x1b6: {  	[sflag:s9] =	ssyncset.done $0x0  }
0x1b7: {  	[sflag:s9] =	ssyncadd.s32 $0xFFFFC000  }
0x1b8: {  	_ =	swait.ge [sflag:s10], $0x4000  }
0x1b9: {  	[sflag:s10] =	ssyncset.done $0x0  }
0x1ba: {  	[sflag:s10] =	ssyncadd.s32 $0xFFFFC000  }
0x1bb: {  	_ =	swait.ge [sflag:s11], $0x4000  }
0x1bc: {  	[sflag:s11] =	ssyncset.done $0x0  }
0x1bd: {  	[sflag:s11] =	ssyncadd.s32 $0xFFFFC000  }
0x1be: {  	_ =	swait.ge [sflag:s12], $0x4000  }
0x1bf: {  	[sflag:s12] =	ssyncset.done $0x0  }
0x1c0: {  	[sflag:s12] =	ssyncadd.s32 $0xFFFFC000  }
0x1c1: {  	_ =	swait.ge [sflag:s13], $0x4000  }
0x1c2: {  	[sflag:s13] =	ssyncset.done $0x0  }
0x1c3: {  	[sflag:s13] =	ssyncadd.s32 $0xFFFFC000  }
0x1c4: {  	_ =	swait.ge [sflag:s14], $0x4000  }
0x1c5: {  	[sflag:s14] =	ssyncset.done $0x0  }
0x1c6: {  	[sflag:s14] =	ssyncadd.s32 $0xFFFFC000  }
0x1c7: {  	_ =	swait.ge [sflag:s15], $0x4000  }
0x1c8: {  	[sflag:s15] =	ssyncset.done $0x0  }
0x1c9: {  	[sflag:s15] =	ssyncadd.s32 $0xFFFFC000  }
0x1ca: {  	_ =	swait.ge [sflag:s7], $0x4000  }
0x1cb: {  	[sflag:s7] =	ssyncset.done $0x0  }
0x1cc: {  	p1 =	sne.s32 s1, $0x1;
	[sflag:s7] =	ssyncadd.s32 $0xFFFFC000  }
.Ltmp2:
0x1cd: {  	[bflag:$0x0] =	sbarrier.arrive $0xFFFF;
	(pc) =	sbr.rel @p1 .LBB2_4-.Ltmp2, $4  }
0x1ce: {  	s16 =	rddreg [dreg:$0x7]  }
0x1cf: {  	[hbm:s16], [sflag:s4] =	dma.local [spmem:s5], $0x2710  }
0x1d0: {  	_ =	swait.ge [sflag:s3], $0x2710  }
0x1d1: {  	s1 =	sadd.s32 $0xFFFFFFFF, s1;
	s0 =	rddreg [dreg:$0x4];
	[sflag:s3] =	ssyncset.done $0x0  }
0x1d2: {  	s24 =	simm.s32 $0xF80;
	s30 =	simm.s32 $0xF00  }
0x1d3: {  	s29 =	simm.s32 $0xE80;
	s28 =	simm.s32 $0xE00;
	s26 =	simm.s32 $0xD80  }
0x1d4: {  	s25 =	simm.s32 $0xD00;
	s23 =	simm.s32 $0x1300;
	s22 =	simm.s32 $0x1280  }
0x1d5: {  	s21 =	simm.s32 $0x1200;
	s20 =	simm.s32 $0x1180;
	s19 =	simm.s32 $0x1100  }
0x1d6: {  	s18 =	simm.s32 $0x1080;
	s17 =	simm.s32 $0x1000;
	s16 =	stileid.u32  }
.LBB2_6:
0x1d7: {  	[sflag:s3] =	ssyncadd.s32 @p0 $0xFFFFD8F0  }
0x1d8: {  	[tilespmem:s6], [sflag:$0x9] =	stream.linear.gather [hbm4b:s0+s31], $0x4000, $0x38;
	[tilespmem:$0x19080] =	vst v63  }
0x1d9: {  	_ =	swait.ge [sflag:s3], $0x4000  }
0x1da: {  	[sflag:s3] =	ssyncset.done $0x0  }
0x1db: {  	s1 =	rddreg [dreg:$0x6];
	[sflag:s3] =	ssyncadd.s32 $0xFFFFC000  }
0x1dc: {  	[tilespmem:s31], [sflag:$0x9] =	stream.linear.gather [hbm4b:s1+s31], $0x1400, $0x38;
	[tilespmem:$0x19080] =	vst v63  }
0x1dd: {  	_ =	swait.ge [sflag:s3], $0x1400  }
0x1de: {  	[sflag:s3] =	ssyncset.done $0x0  }
0x1df: {  	s1 =	rddreg [dreg:$0x5];
	[sflag:s3] =	ssyncadd.s32 $0xFFFFEC00  }
0x1e0: {  	[spmem:s5], [sflag:s4] =	dma.local [hbm:s1], $0x2710  }
0x1e1: {  	_ =	swait.ge [sflag:s3], $0x2710  }
0x1e2: {  	[sflag:s3] =	ssyncset.done $0x0  }
0x1e3: {  	[sflag:s3] =	ssyncadd.s32 $0xFFFFD8F0  }
0x1e4: {  	[bflag:$0x0] =	sbarrier.arrive $0xFFFF  }
0x1e5: {  	[spmem:s2] =	stream.indirect.scatter.add.f32 [tilespmem:s6], [sflag:$0x1], $0x80, s31, s8, $0xb8;
	[tilespmem:$0x19080] =	vst v63  }
0x1e6: {  	_ = 	snop  }
0x1e7: {  	[spmem:s2] =	stream.indirect.scatter.add.f32 [tilespmem:s6], [sflag:$0x2], $0x80, s8, s8, $0xb8;
	[tilespmem:$0x19080] =	vst v63  }
0x1e8: {  	s31 =	rddreg [dreg:$0x8]  }
0x1e9: {  	[spmem:s2] =	stream.indirect.scatter.add.f32 [tilespmem:s6], [sflag:$0x3], $0x80, s31, s8, $0xb8;
	[tilespmem:$0x19080] =	vst v63  }
0x1ea: {  	s1 =	rddreg [dreg:$0x9]  }
0x1eb: {  	[spmem:s2] =	stream.indirect.scatter.add.f32 [tilespmem:s6], [sflag:$0x4], $0x80, s1, s8, $0xb8;
	[tilespmem:$0x19080] =	vst v63  }
0x1ec: {  	s0 =	rddreg [dreg:$0xa]  }
0x1ed: {  	[spmem:s2] =	stream.indirect.scatter.add.f32 [tilespmem:s6], [sflag:$0x5], $0x80, s0, s8, $0xb8;
	[tilespmem:$0x19080] =	vst v63  }
0x1ee: {  	s31 =	rddreg [dreg:$0xb]  }
0x1ef: {  	[spmem:s2] =	stream.indirect.scatter.add.f32 [tilespmem:s6], [sflag:$0x6], $0x80, s31, s8, $0xb8;
	[tilespmem:$0x19080] =	vst v63  }
0x1f0: {  	s0 =	rddreg [dreg:$0xc]  }
0x1f1: {  	[spmem:s2] =	stream.indirect.scatter.add.f32 [tilespmem:s6], [sflag:$0x7], $0x80, s0, s8, $0xb8;
	[tilespmem:$0x19080] =	vst v63  }
0x1f2: {  	s31 =	rddreg [dreg:$0xd]  }
0x1f3: {  	[spmem:s2] =	stream.indirect.scatter.add.f32 [tilespmem:s6], [sflag:$0x8], $0x80, s31, s8, $0xb8;
	[tilespmem:$0x19080] =	vst v63  }
0x1f4: {  	_ =	swait.ge [sflag:s9], $0x4000  }
0x1f5: {  	[sflag:s9] =	ssyncset.done $0x0  }
0x1f6: {  	[sflag:s9] =	ssyncadd.s32 $0xFFFFC000  }
0x1f7: {  	_ =	swait.ge [sflag:s10], $0x4000  }
0x1f8: {  	[sflag:s10] =	ssyncset.done $0x0  }
0x1f9: {  	[sflag:s10] =	ssyncadd.s32 $0xFFFFC000  }
0x1fa: {  	_ =	swait.ge [sflag:s11], $0x4000  }
0x1fb: {  	[sflag:s11] =	ssyncset.done $0x0  }
0x1fc: {  	[sflag:s11] =	ssyncadd.s32 $0xFFFFC000  }
0x1fd: {  	_ =	swait.ge [sflag:s12], $0x4000  }
0x1fe: {  	[sflag:s12] =	ssyncset.done $0x0  }
0x1ff: {  	[sflag:s12] =	ssyncadd.s32 $0xFFFFC000  }
0x200: {  	_ =	swait.ge [sflag:s13], $0x4000  }
0x201: {  	[sflag:s13] =	ssyncset.done $0x0  }
0x202: {  	[sflag:s13] =	ssyncadd.s32 $0xFFFFC000  }
0x203: {  	_ =	swait.ge [sflag:s14], $0x4000  }
0x204: {  	[sflag:s14] =	ssyncset.done $0x0  }
0x205: {  	[sflag:s14] =	ssyncadd.s32 $0xFFFFC000  }
0x206: {  	_ =	swait.ge [sflag:s15], $0x4000  }
0x207: {  	[sflag:s15] =	ssyncset.done $0x0  }
0x208: {  	[sflag:s15] =	ssyncadd.s32 $0xFFFFC000  }
0x209: {  	_ =	swait.ge [sflag:s7], $0x4000  }
0x20a: {  	[sflag:s7] =	ssyncset.done $0x0  }
0x20b: {  	s1 =	rddreg [dreg:$0xe];
	[sflag:s7] =	ssyncadd.s32 $0xFFFFC000  }
0x20c: {  	[spmem:s2] =	stream.indirect.scatter.add.f32 [tilespmem:s6], [sflag:$0x1], $0x80, s1, s8, $0xb8;
	[tilespmem:$0x19080] =	vst v63  }
0x20d: {  	s31 =	rddreg [dreg:$0xf]  }
0x20e: {  	[spmem:s2] =	stream.indirect.scatter.add.f32 [tilespmem:s6], [sflag:$0x2], $0x80, s31, s8, $0xb8;
	[tilespmem:$0x19080] =	vst v63  }
0x20f: {  	s0 =	rddreg [dreg:$0x10]  }
0x210: {  	[spmem:s2] =	stream.indirect.scatter.add.f32 [tilespmem:s6], [sflag:$0x3], $0x80, s0, s8, $0xb8;
	[tilespmem:$0x19080] =	vst v63  }
0x211: {  	s31 =	rddreg [dreg:$0x11]  }
0x212: {  	[spmem:s2] =	stream.indirect.scatter.add.f32 [tilespmem:s6], [sflag:$0x4], $0x80, s31, s8, $0xb8;
	[tilespmem:$0x19080] =	vst v63  }
0x213: {  	s0 =	rddreg [dreg:$0x12]  }
0x214: {  	[spmem:s2] =	stream.indirect.scatter.add.f32 [tilespmem:s6], [sflag:$0x5], $0x80, s0, s8, $0xb8;
	[tilespmem:$0x19080] =	vst v63  }
0x215: {  	s31 =	rddreg [dreg:$0x13]  }
0x216: {  	[spmem:s2] =	stream.indirect.scatter.add.f32 [tilespmem:s6], [sflag:$0x6], $0x80, s31, s8, $0xb8;
	[tilespmem:$0x19080] =	vst v63  }
0x217: {  	s0 =	rddreg [dreg:$0x14]  }
0x218: {  	[spmem:s2] =	stream.indirect.scatter.add.f32 [tilespmem:s6], [sflag:$0x7], $0x80, s0, s8, $0xb8;
	[tilespmem:$0x19080] =	vst v63  }
0x219: {  	s31 =	rddreg [dreg:$0x15]  }
0x21a: {  	[spmem:s2] =	stream.indirect.scatter.add.f32 [tilespmem:s6], [sflag:$0x8], $0x80, s31, s8, $0xb8;
	[tilespmem:$0x19080] =	vst v63  }
0x21b: {  	_ =	swait.ge [sflag:s9], $0x4000  }
0x21c: {  	[sflag:s9] =	ssyncset.done $0x0  }
0x21d: {  	[sflag:s9] =	ssyncadd.s32 $0xFFFFC000  }
0x21e: {  	_ =	swait.ge [sflag:s10], $0x4000  }
0x21f: {  	[sflag:s10] =	ssyncset.done $0x0  }
0x220: {  	[sflag:s10] =	ssyncadd.s32 $0xFFFFC000  }
0x221: {  	_ =	swait.ge [sflag:s11], $0x4000  }
0x222: {  	[sflag:s11] =	ssyncset.done $0x0  }
0x223: {  	[sflag:s11] =	ssyncadd.s32 $0xFFFFC000  }
0x224: {  	_ =	swait.ge [sflag:s12], $0x4000  }
0x225: {  	[sflag:s12] =	ssyncset.done $0x0  }
0x226: {  	[sflag:s12] =	ssyncadd.s32 $0xFFFFC000  }
0x227: {  	_ =	swait.ge [sflag:s13], $0x4000  }
0x228: {  	[sflag:s13] =	ssyncset.done $0x0  }
0x229: {  	[sflag:s13] =	ssyncadd.s32 $0xFFFFC000  }
0x22a: {  	_ =	swait.ge [sflag:s14], $0x4000  }
0x22b: {  	[sflag:s14] =	ssyncset.done $0x0  }
0x22c: {  	[sflag:s14] =	ssyncadd.s32 $0xFFFFC000  }
0x22d: {  	_ =	swait.ge [sflag:s15], $0x4000  }
0x22e: {  	[sflag:s15] =	ssyncset.done $0x0  }
0x22f: {  	[sflag:s15] =	ssyncadd.s32 $0xFFFFC000  }
0x230: {  	_ =	swait.ge [sflag:s7], $0x4000  }
0x231: {  	[sflag:s7] =	ssyncset.done $0x0  }
0x232: {  	s1 =	rddreg [dreg:$0x16];
	[sflag:s7] =	ssyncadd.s32 $0xFFFFC000  }
0x233: {  	[spmem:s2] =	stream.indirect.scatter.add.f32 [tilespmem:s6], [sflag:$0x1], $0x80, s1, s8, $0xb8;
	[tilespmem:$0x19080] =	vst v63  }
0x234: {  	s31 =	rddreg [dreg:$0x17]  }
0x235: {  	[spmem:s2] =	stream.indirect.scatter.add.f32 [tilespmem:s6], [sflag:$0x2], $0x80, s31, s8, $0xb8;
	[tilespmem:$0x19080] =	vst v63  }
0x236: {  	s0 =	rddreg [dreg:$0x18]  }
0x237: {  	[spmem:s2] =	stream.indirect.scatter.add.f32 [tilespmem:s6], [sflag:$0x3], $0x80, s0, s8, $0xb8;
	[tilespmem:$0x19080] =	vst v63  }
0x238: {  	s31 =	rddreg [dreg:$0x19]  }
0x239: {  	[spmem:s2] =	stream.indirect.scatter.add.f32 [tilespmem:s6], [sflag:$0x4], $0x80, s31, s8, $0xb8;
	[tilespmem:$0x19080] =	vst v63  }
0x23a: {  	s0 =	rddreg [dreg:$0x1a]  }
0x23b: {  	[spmem:s2] =	stream.indirect.scatter.add.f32 [tilespmem:s6], [sflag:$0x5], $0x80, s0, s8, $0xb8;
	[tilespmem:$0x19080] =	vst v63  }
0x23c: {  	s31 =	rddreg [dreg:$0x1b]  }
0x23d: {  	[spmem:s2] =	stream.indirect.scatter.add.f32 [tilespmem:s6], [sflag:$0x6], $0x80, s31, s8, $0xb8;
	[tilespmem:$0x19080] =	vst v63  }
0x23e: {  	s0 =	rddreg [dreg:$0x1c]  }
0x23f: {  	[spmem:s2] =	stream.indirect.scatter.add.f32 [tilespmem:s6], [sflag:$0x7], $0x80, s0, s8, $0xb8;
	[tilespmem:$0x19080] =	vst v63  }
0x240: {  	s31 =	rddreg [dreg:$0x1d]  }
0x241: {  	[spmem:s2] =	stream.indirect.scatter.add.f32 [tilespmem:s6], [sflag:$0x8], $0x80, s31, s8, $0xb8;
	[tilespmem:$0x19080] =	vst v63  }
0x242: {  	_ =	swait.ge [sflag:s9], $0x4000  }
0x243: {  	[sflag:s9] =	ssyncset.done $0x0  }
0x244: {  	[sflag:s9] =	ssyncadd.s32 $0xFFFFC000  }
0x245: {  	_ =	swait.ge [sflag:s10], $0x4000  }
0x246: {  	[sflag:s10] =	ssyncset.done $0x0  }
0x247: {  	[sflag:s10] =	ssyncadd.s32 $0xFFFFC000  }
0x248: {  	_ =	swait.ge [sflag:s11], $0x4000  }
0x249: {  	[sflag:s11] =	ssyncset.done $0x0  }
0x24a: {  	[sflag:s11] =	ssyncadd.s32 $0xFFFFC000  }
0x24b: {  	_ =	swait.ge [sflag:s12], $0x4000  }
0x24c: {  	[sflag:s12] =	ssyncset.done $0x0  }
0x24d: {  	[sflag:s12] =	ssyncadd.s32 $0xFFFFC000  }
0x24e: {  	_ =	swait.ge [sflag:s13], $0x4000  }
0x24f: {  	[sflag:s13] =	ssyncset.done $0x0  }
0x250: {  	[sflag:s13] =	ssyncadd.s32 $0xFFFFC000  }
0x251: {  	_ =	swait.ge [sflag:s14], $0x4000  }
0x252: {  	[sflag:s14] =	ssyncset.done $0x0  }
0x253: {  	[sflag:s14] =	ssyncadd.s32 $0xFFFFC000  }
0x254: {  	_ =	swait.ge [sflag:s15], $0x4000  }
0x255: {  	[sflag:s15] =	ssyncset.done $0x0  }
0x256: {  	[sflag:s15] =	ssyncadd.s32 $0xFFFFC000  }
0x257: {  	_ =	swait.ge [sflag:s7], $0x4000  }
0x258: {  	[sflag:s7] =	ssyncset.done $0x0  }
0x259: {  	s1 =	rddreg [dreg:$0x1e];
	[sflag:s7] =	ssyncadd.s32 $0xFFFFC000  }
0x25a: {  	[spmem:s2] =	stream.indirect.scatter.add.f32 [tilespmem:s6], [sflag:$0x1], $0x80, s1, s8, $0xb8;
	[tilespmem:$0x19080] =	vst v63  }
0x25b: {  	s31 =	rddreg [dreg:$0x1f]  }
0x25c: {  	[spmem:s2] =	stream.indirect.scatter.add.f32 [tilespmem:s6], [sflag:$0x2], $0x80, s31, s8, $0xb8;
	[tilespmem:$0x19080] =	vst v63  }
0x25d: {  	_ = 	snop  }
0x25e: {  	[spmem:s2] =	stream.indirect.scatter.add.f32 [tilespmem:s6], [sflag:$0x3], $0x80, s25, s8, $0xb8;
	[tilespmem:$0x19080] =	vst v63  }
0x25f: {  	_ = 	snop  }
0x260: {  	[spmem:s2] =	stream.indirect.scatter.add.f32 [tilespmem:s6], [sflag:$0x4], $0x80, s26, s8, $0xb8;
	[tilespmem:$0x19080] =	vst v63  }
0x261: {  	_ = 	snop  }
0x262: {  	[spmem:s2] =	stream.indirect.scatter.add.f32 [tilespmem:s6], [sflag:$0x5], $0x80, s28, s8, $0xb8;
	[tilespmem:$0x19080] =	vst v63  }
0x263: {  	_ = 	snop  }
0x264: {  	[spmem:s2] =	stream.indirect.scatter.add.f32 [tilespmem:s6], [sflag:$0x6], $0x80, s29, s8, $0xb8;
	[tilespmem:$0x19080] =	vst v63  }
0x265: {  	_ = 	snop  }
0x266: {  	[spmem:s2] =	stream.indirect.scatter.add.f32 [tilespmem:s6], [sflag:$0x7], $0x80, s30, s8, $0xb8;
	[tilespmem:$0x19080] =	vst v63  }
0x267: {  	_ = 	snop  }
0x268: {  	[spmem:s2] =	stream.indirect.scatter.add.f32 [tilespmem:s6], [sflag:$0x8], $0x80, s24, s8, $0xb8;
	[tilespmem:$0x19080] =	vst v63  }
0x269: {  	_ =	swait.ge [sflag:s9], $0x4000  }
0x26a: {  	[sflag:s9] =	ssyncset.done $0x0  }
0x26b: {  	[sflag:s9] =	ssyncadd.s32 $0xFFFFC000  }
0x26c: {  	_ =	swait.ge [sflag:s10], $0x4000  }
0x26d: {  	[sflag:s10] =	ssyncset.done $0x0  }
0x26e: {  	[sflag:s10] =	ssyncadd.s32 $0xFFFFC000  }
0x26f: {  	_ =	swait.ge [sflag:s11], $0x4000  }
0x270: {  	[sflag:s11] =	ssyncset.done $0x0  }
0x271: {  	[sflag:s11] =	ssyncadd.s32 $0xFFFFC000  }
0x272: {  	_ =	swait.ge [sflag:s12], $0x4000  }
0x273: {  	[sflag:s12] =	ssyncset.done $0x0  }
0x274: {  	[sflag:s12] =	ssyncadd.s32 $0xFFFFC000  }
0x275: {  	_ =	swait.ge [sflag:s13], $0x4000  }
0x276: {  	[sflag:s13] =	ssyncset.done $0x0  }
0x277: {  	[sflag:s13] =	ssyncadd.s32 $0xFFFFC000  }
0x278: {  	_ =	swait.ge [sflag:s14], $0x4000  }
0x279: {  	[sflag:s14] =	ssyncset.done $0x0  }
0x27a: {  	[sflag:s14] =	ssyncadd.s32 $0xFFFFC000  }
0x27b: {  	_ =	swait.ge [sflag:s15], $0x4000  }
0x27c: {  	[sflag:s15] =	ssyncset.done $0x0  }
0x27d: {  	[sflag:s15] =	ssyncadd.s32 $0xFFFFC000  }
0x27e: {  	_ =	swait.ge [sflag:s7], $0x4000  }
0x27f: {  	[sflag:s7] =	ssyncset.done $0x0  }
0x280: {  	[sflag:s7] =	ssyncadd.s32 $0xFFFFC000  }
0x281: {  	[spmem:s2] =	stream.indirect.scatter.add.f32 [tilespmem:s6], [sflag:$0x1], $0x80, s17, s8, $0xb8;
	[tilespmem:$0x19080] =	vst v63  }
0x282: {  	_ = 	snop  }
0x283: {  	[spmem:s2] =	stream.indirect.scatter.add.f32 [tilespmem:s6], [sflag:$0x2], $0x80, s18, s8, $0xb8;
	[tilespmem:$0x19080] =	vst v63  }
0x284: {  	_ = 	snop  }
0x285: {  	[spmem:s2] =	stream.indirect.scatter.add.f32 [tilespmem:s6], [sflag:$0x3], $0x80, s19, s8, $0xb8;
	[tilespmem:$0x19080] =	vst v63  }
0x286: {  	_ = 	snop  }
0x287: {  	[spmem:s2] =	stream.indirect.scatter.add.f32 [tilespmem:s6], [sflag:$0x4], $0x80, s20, s8, $0xb8;
	[tilespmem:$0x19080] =	vst v63  }
0x288: {  	_ = 	snop  }
0x289: {  	[spmem:s2] =	stream.indirect.scatter.add.f32 [tilespmem:s6], [sflag:$0x5], $0x80, s21, s8, $0xb8;
	[tilespmem:$0x19080] =	vst v63  }
0x28a: {  	_ = 	snop  }
0x28b: {  	[spmem:s2] =	stream.indirect.scatter.add.f32 [tilespmem:s6], [sflag:$0x6], $0x80, s22, s8, $0xb8;
	[tilespmem:$0x19080] =	vst v63  }
0x28c: {  	_ = 	snop  }
0x28d: {  	[spmem:s2] =	stream.indirect.scatter.add.f32 [tilespmem:s6], [sflag:$0x7], $0x80, s23, s8, $0xb8;
	[tilespmem:$0x19080] =	vst v63  }
0x28e: {  	s30 =	simm.s32 $0x1380  }
0x28f: {  	[spmem:s2] =	stream.indirect.scatter.add.f32 [tilespmem:s6], [sflag:$0x8], $0x80, s30, s8, $0xb8;
	[tilespmem:$0x19080] =	vst v63  }
0x290: {  	_ =	swait.ge [sflag:s9], $0x4000  }
0x291: {  	[sflag:s9] =	ssyncset.done $0x0  }
0x292: {  	[sflag:s9] =	ssyncadd.s32 $0xFFFFC000  }
0x293: {  	_ =	swait.ge [sflag:s10], $0x4000  }
0x294: {  	[sflag:s10] =	ssyncset.done $0x0  }
0x295: {  	[sflag:s10] =	ssyncadd.s32 $0xFFFFC000  }
0x296: {  	_ =	swait.ge [sflag:s11], $0x4000  }
0x297: {  	[sflag:s11] =	ssyncset.done $0x0  }
0x298: {  	[sflag:s11] =	ssyncadd.s32 $0xFFFFC000  }
0x299: {  	_ =	swait.ge [sflag:s12], $0x4000  }
0x29a: {  	[sflag:s12] =	ssyncset.done $0x0  }
0x29b: {  	[sflag:s12] =	ssyncadd.s32 $0xFFFFC000  }
0x29c: {  	_ =	swait.ge [sflag:s13], $0x4000  }
0x29d: {  	[sflag:s13] =	ssyncset.done $0x0  }
0x29e: {  	[sflag:s13] =	ssyncadd.s32 $0xFFFFC000  }
0x29f: {  	_ =	swait.ge [sflag:s14], $0x4000  }
0x2a0: {  	[sflag:s14] =	ssyncset.done $0x0  }
0x2a1: {  	[sflag:s14] =	ssyncadd.s32 $0xFFFFC000  }
0x2a2: {  	_ =	swait.ge [sflag:s15], $0x4000  }
0x2a3: {  	[sflag:s15] =	ssyncset.done $0x0  }
0x2a4: {  	[sflag:s15] =	ssyncadd.s32 $0xFFFFC000  }
0x2a5: {  	_ =	swait.ge [sflag:s7], $0x4000  }
0x2a6: {  	[sflag:s7] =	ssyncset.done $0x0  }
0x2a7: {  	[sflag:s7] =	ssyncadd.s32 $0xFFFFC000  }
0x2a8: {  	[bflag:$0x0] =	sbarrier.arrive $0xFFFF  }
0x2a9: {  	s31 =	rddreg [dreg:$0x7]  }
0x2aa: {  	[hbm:s31], [sflag:s4] =	dma.local [spmem:s5], $0x2710  }
0x2ab: {  	_ =	swait.ge [sflag:s3], $0x2710  }
0x2ac: {  	[sflag:s3] =	ssyncset.done $0x0  }
0x2ad: {  	[sflag:s3] =	ssyncadd.s32 $0xFFFFD8F0  }
0x2ae: {  	_ =	sfence.sel $0x180000  }
0x2af: {  	[bflag:$0x0] =	sbarrier.arrive $0xFFFF  }
0x2b0: {  	_ =	strace $0x90000047  }
0x2b1: {  	[bflag:$0x2] =	sbarrier.arrive $0xFFFF  }
0x2b2: {  	p0 =	sne.s32 s16, $0x0;
	s0 =	rddreg [dreg:$0x3]  }
0x2b3: {  	s0 =	sadd.s32 @!p0 $0x100000, s0  }
0x2b4: {  	[sflag:s0] =	ssyncadd.tile.s32 @!p0 $0x1;
	_ =	shalt  }
.LBB2_1:
.Ltmp3:
0x2b5: {  	s24 =	simm.s32 $0xF80;
	(pc) =	sbr.rel .LBB2_6-.Ltmp3, $4  }
0x2b6: {  	s30 =	simm.s32 $0xF00;
	s29 =	simm.s32 $0xE80;
	s28 =	simm.s32 $0xE00  }
0x2b7: {  	s26 =	simm.s32 $0xD80;
	s25 =	simm.s32 $0xD00;
	s23 =	simm.s32 $0x1300  }
0x2b8: {  	s22 =	simm.s32 $0x1280;
	s21 =	simm.s32 $0x1200;
	s20 =	simm.s32 $0x1180  }
0x2b9: {  	s19 =	simm.s32 $0x1100;
	s18 =	simm.s32 $0x1080;
	s17 =	simm.s32 $0x1000  }
.LBB2_3:
.Ltmp4:
0x2ba: {  	s24 =	simm.s32 $0xF80;
	s30 =	simm.s32 $0xF00;
	(pc) =	sbr.rel .LBB2_6-.Ltmp4, $4  }
0x2bb: {  	s29 =	simm.s32 $0xE80;
	s28 =	simm.s32 $0xE00;
	s26 =	simm.s32 $0xD80  }
0x2bc: {  	s25 =	simm.s32 $0xD00;
	s23 =	simm.s32 $0x1300;
	s22 =	simm.s32 $0x1280  }
0x2bd: {  	s21 =	simm.s32 $0x1200;
	s20 =	simm.s32 $0x1180;
	s19 =	simm.s32 $0x1100  }
0x2be: {  	s18 =	simm.s32 $0x1080;
	s17 =	simm.s32 $0x1000;
	s16 =	stileid.u32  }
.Lfunc_end2:
_tile_overlayer_lowered:
.L_overlay_start_2:
0x2bf: {  	(tag) =	ssettag $0x2  }
0x2c0: {  	s0 =	rddreg [dreg:$0x0];
	s2 =	stileid.u32  }
0x2c1: {  	s1 =	rddreg [dreg:$0x1];
	p0 =	sne.s32 s2, $0x0  }
0x2c2: {  	s3 =	rddreg [dreg:$0x2];
	[bflag:$0x3] =	sbarrier.arrive $0xFFFF;
	s2 =	simm.s32 @!p0 $0x1C09  }
0x2c3: {  	[timem:s3], [sflag:s2] =	dma.local @!p0 [hbm:s0], s1  }
0x2c4: {  	s0 =	simm.s32 @!p0 $0x9  }
0x2c5: {  	_ =	swait.ge @!p0 [sflag:s0], s1  }
0x2c6: {  	s1 =	ssub.s32 @!p0 $0x0, s1;
	[sflag:s0] =	ssyncset.done @!p0 $0x0  }
0x2c7: {  	[sflag:s0] =	ssyncadd.s32 @!p0 s1  }
0x2c8: {  	[bflag:$0x3] =	sbarrier.arrive $0xFFFF  }
0x2c9: {  	_ =	shalt  }

// kernel: kernel.9.cloned.1.call-start
scs
__scs_entry_jumppad:
0x0: {  	(pc) =	sbr.rel $0x88, $3  }
0x1: {  	(tag) =	ssettag $0x0;
	lr =	simm.s32 $0x1  }
0x2: {  	[smem:$0x3F9D] =	sst lr;
	_ =	strace $0xD0000000  }
0x3: {  	_ = 	snop  }
0x4: {  	_ = 	snop  }
0x5: {  	_ = 	snop  }
0x6: {  	_ = 	snop  }
0x7: {  	_ = 	snop  }
__scs_overlays_trampoline_lowered:
0x8: {  	[smem:$0x3FAC] =	sst s0  }
0x9: {  	[smem:$0x3FAD] =	sst s1  }
0xa: {  	[smem:$0x3FAE] =	sst s2  }
0xb: {  	[smem:$0x3FAF] =	sst s3  }
0xc: {  	[smem:$0x3FB0] =	sst s4  }
0xd: {  	[smem:$0x3FB1] =	sst s5  }
0xe: {  	[smem:$0x3FB2] =	sst s6  }
0xf: {  	[smem:$0x3FB3] =	sst s7  }
0x10: {  	[smem:$0x3FB4] =	sst s8  }
0x11: {  	[smem:$0x3FB5] =	sst s9;
	s0 =	simm.s32 @!p0 $0x0  }
0x12: {  	s1 =	sld [smem:$0x3F9B];
	s0 =	simm.s32 @p0 $0x1  }
0x13: {  	[smem:$0x3FB6] =	sst s0;
	s0 =	simm.s32 @!p1 $0x0  }
0x14: {  	s2 =	sld [smem:$0x3F9A];
	s0 =	simm.s32 @p1 $0x1  }
0x15: {  	[smem:$0x3FB7] =	sst s0;
	s0 =	simm.s32 @!p2 $0x0  }
0x16: {  	s3 =	sld [smem:$0x3FDB];
	s0 =	simm.s32 @p2 $0x1  }
0x17: {  	s4 =	simm.s32 $0x1BF5;
	[smem:$0x3FB9] =	sst s0  }
0x18: {  	s0 =	sld [smem:$0x3F9C];
	_ =	swait.ge [sflag:s4], $0x0  }
0x19: {  	s7 =	sld [smem:$0x3F9D]  }
0x1a: {  	s8 =	sadd.s32 $0xFFFFE003, lr  }
0x1b: {  	s9 =	sadd.s32 $0xFFFFFEF7, lr;
	s5 =	simm.s32 $0xFFFFFFFF;
	p2 =	slt.u32 s8, $0xFFFFF086  }
0x1c: {  	p1 =	slt.u32 s9, $0xF7A;
	s5 =	simm.s32 @!p2 $0x0  }
0x1d: {  	s5 =	simm.s32 @p1 $0x1;
	p0 =	seq.s32 s7, s2  }
0x1e: {  	s7 =	smul.u32 @!p0 $0xF7A, s2;
	p2 =	seq.s32 @!p0 s5, $0x0  }
0x1f: {  	s9 =	smul.u32 $0xF7A, s1;
	s8 =	simm.s32 @!p0 $0x1BF5;
	p2 =	por !p2, p0  }
0x20: {  	[sflag:s8] =	ssyncset.s32 @!p0 $0xFFFFF086;
	s6 =	sadd.s32 @!p0 s3, s7;
	s7 =	simm.s32 @!p0 $0x108  }
0x21: {  	s3 =	sadd.s32 s3, s9;
	s6 =	sadd.s32 @!p0 $0x88, s6;
	s7 =	simm.s32 @p2 $0x1082  }
0x22: {  	[simem:s7], [sflag:s8] =	dma.local @!p0 [hbm:s6], $0xF7A  }
0x23: {  	s9 =	sor.u32 $0xD0000000, s2;
	s6 =	simm.s32 $0x108;
	_ =	swait.ge @!p0 [sflag:s8], $0x0  }
0x24: {  	s3 =	sadd.s32 $0x88, s3;
	s6 =	simm.s32 @!p1 $0x1082;
	[sflag:s4] =	ssyncset.s32 $0xFFFFF086  }
0x25: {  	[simem:s6], [sflag:s4] =	dma.local [hbm:s3], $0xF7A  }
0x26: {  	[smem:$0x3F9D] =	sst s1;
	(tag) =	ssettag s2;
	_ =	strace s9  }
0x27: {  	s1 =	sld [smem:$0x3FAD]  }
0x28: {  	s2 =	sld [smem:$0x3FAE]  }
0x29: {  	s4 =	sld [smem:$0x3FB0]  }
0x2a: {  	p0 =	seq.s32 s5, $0x0;
	s5 =	sld [smem:$0x3FB1]  }
0x2b: {  	s6 =	sld [smem:$0x3FB2]  }
0x2c: {  	s7 =	sld [smem:$0x3FB3]  }
0x2d: {  	s3 =	simm.s32 $0x108;
	s8 =	sld [smem:$0x3FB4]  }
0x2e: {  	s3 =	simm.s32 @!p0 $0x1082;
	s9 =	sld [smem:$0x3FB5]  }
0x2f: {  	lr =	sadd.s32 s0, s3;
	s0 =	sld [smem:$0x3FAC]  }
0x30: {  	s3 =	sld [smem:$0x3FAF]  }
0x31: {  	[smem:$0x3FB8] =	sst s10  }
0x32: {  	s10 =	sld [smem:$0x3FB6];
	_ =	sdelay $0x3  }
0x33: {  	p0 =	seq.s32 s10, $0x1;
	s10 =	sld [smem:$0x3FB8];
	_ =	sdelay $0x3  }
0x34: {  	[smem:$0x3FB8] =	sst s10  }
0x35: {  	s10 =	sld [smem:$0x3FB7];
	_ =	sdelay $0x3  }
0x36: {  	p1 =	seq.s32 s10, $0x1;
	s10 =	sld [smem:$0x3FB8];
	_ =	sdelay $0x3  }
0x37: {  	[smem:$0x3FB8] =	sst s10  }
0x38: {  	s10 =	sld [smem:$0x3FB9]  }
0x39: {  	_ = 	snop;
	(pc) =	sbr.ind lr, $3  }
0x3a: {  	_ = 	snop  }
0x3b: {  	_ = 	snop  }
0x3c: {  	p2 =	seq.s32 s10, $0x1;
	s10 =	sld [smem:$0x3FB8]  }
0x3d: {  	_ =	shalt  }
0x3e: {  	_ =	shalt  }
0x3f: {  	_ =	shalt  }
0x40: {  	_ =	shalt  }
0x41: {  	_ =	shalt  }
0x42: {  	_ =	shalt  }
0x43: {  	_ =	shalt  }
0x44: {  	_ =	shalt  }
0x45: {  	_ =	shalt  }
0x46: {  	_ =	shalt  }
0x47: {  	_ =	shalt  }
0x48: {  	_ =	shalt  }
0x49: {  	_ =	shalt  }
0x4a: {  	_ =	shalt  }
0x4b: {  	_ =	shalt  }
0x4c: {  	_ =	shalt  }
0x4d: {  	_ =	shalt  }
0x4e: {  	_ =	shalt  }
0x4f: {  	_ =	shalt  }
0x50: {  	_ =	shalt  }
0x51: {  	_ =	shalt  }
0x52: {  	_ =	shalt  }
0x53: {  	_ =	shalt  }
0x54: {  	_ =	shalt  }
0x55: {  	_ =	shalt  }
0x56: {  	_ =	shalt  }
0x57: {  	_ =	shalt  }
0x58: {  	_ =	shalt  }
0x59: {  	_ =	shalt  }
0x5a: {  	_ =	shalt  }
0x5b: {  	_ =	shalt  }
0x5c: {  	_ =	shalt  }
0x5d: {  	_ =	shalt  }
0x5e: {  	_ =	shalt  }
0x5f: {  	_ =	shalt  }
0x60: {  	_ =	shalt  }
0x61: {  	_ =	shalt  }
0x62: {  	_ =	shalt  }
0x63: {  	_ =	shalt  }
0x64: {  	_ =	shalt  }
0x65: {  	_ =	shalt  }
0x66: {  	_ =	shalt  }
0x67: {  	_ =	shalt  }
0x68: {  	_ =	shalt  }
0x69: {  	_ =	shalt  }
0x6a: {  	_ =	shalt  }
0x6b: {  	_ =	shalt  }
0x6c: {  	_ =	shalt  }
0x6d: {  	_ =	shalt  }
0x6e: {  	_ =	shalt  }
0x6f: {  	_ =	shalt  }
0x70: {  	_ =	shalt  }
0x71: {  	_ =	shalt  }
0x72: {  	_ =	shalt  }
0x73: {  	_ =	shalt  }
0x74: {  	_ =	shalt  }
0x75: {  	_ =	shalt  }
0x76: {  	_ =	shalt  }
0x77: {  	_ =	shalt  }
0x78: {  	_ =	shalt  }
0x79: {  	_ =	shalt  }
0x7a: {  	_ =	shalt  }
0x7b: {  	_ =	shalt  }
0x7c: {  	_ =	shalt  }
0x7d: {  	_ =	shalt  }
0x7e: {  	_ =	shalt  }
0x7f: {  	_ =	shalt  }
0x80: {  	_ =	shalt  }
0x81: {  	_ =	shalt  }
0x82: {  	_ =	shalt  }
0x83: {  	_ =	shalt  }
0x84: {  	_ =	shalt  }
0x85: {  	_ =	shalt  }
0x86: {  	_ =	shalt  }
0x87: {  	_ =	shalt  }
.Lfunc_end0:
.L_simem_size_0:
called_computation.1_lowered:
.L_overlay_start_0:
0x88: {  	s2 =	sld [smem:$0x3FD9]  }
0x89: {  	s3 =	sld [smem:$0x3FFE];
	_ =	sdelay $0x1  }
0x8a: {  	s1 =	srdreg.scid  }
0x8b: {  	s0 =	sand.u32 $0x1, s1  }
0x8c: {  	s17 =	sshll.u32 s0, $0xA;
	s2 =	sadd.s32 s3, s2  }
0x8d: {  	s2 =	sadd.s32 s2, s17  }
0x8e: {  	[smem:$0x3FC4] =	sst s2  }
0x8f: {  	_ = 	snop  }
0x90: {  	s2 =	sld [smem:$0x3FD0];
	(tm) =	ssettm $0x1  }
0x91: {  	s18 =	sld [smem:$0x3FFB];
	_ =	sdelay $0x3  }
0x92: {  	_ =	strace s18  }
0x93: {  	s3 =	sld [smem:$0x3FFC];
	_ =	sdelay $0x3  }
0x94: {  	_ =	strace s3  }
0x95: {  	s3 =	sld [smem:$0x3FFD];
	_ =	sdelay $0x3  }
0x96: {  	_ =	strace s3  }
0x97: {  	_ =	strace $0x8FFFFFFF  }
0x98: {  	s19 =	sld [smem:$0x3FDB];
	_ =	sdelay $0x1  }
0x99: {  	s4 =	simm.s32 $_scs_section_size  }
0x9a: {  	s5 =	simm.s32 $_size__tile_overlayer_lowered;
	s6 =	simm.s32 $_tile_overlayer_lowered  }
0x9b: {  	s22 =	simm.s32 $0x1BFF;
	s21 =	sshll.u32 s6, $0x1;
	s3 =	sadd.s32 s4, s19  }
0x9c: {  	s7 =	simm.s32 $0x0;
	s20 =	sshll.u32 s5, $0x1;
	s5 =	sadd.s32 s21, s3  }
0x9d: {  	[timem:s7], [sflag:s22] =	dma.local [hbm:s5], s20  }
0x9e: {  	_ =	swait.ge [sflag:s22], s20  }
0x9f: {  	s4 =	ssub.s32 $0x0, s20;
	[sflag:s22] =	ssyncset.done $0x0  }
0xa0: {  	[sflag:s22] =	ssyncadd.s32 s4;
	_ =	sdelay $0x1  }
0xa1: {  	s23 =	simm.s32 $0x1B8B  }
0xa2: {  	_ =	swait.ge [sflag:s23], $0x1  }
0xa3: {  	[sflag:s23] =	ssyncset.done $0x0  }
0xa4: {  	s25 =	simm.s32 $0x1B8E;
	s24 =	sld [smem:$0x3FFE];
	[sflag:s23] =	ssyncadd.s32 $0xFFFFFFFF  }
0xa5: {  	s26 =	simm.s32 $execute0_lowered;
	[smem:$0x3FD2] =	sst s25  }
0xa6: {  	s5 =	sshll.u32 s26, $0x1;
	_ =	strace $0x80000049;
	[dreg:$0x1] =	wrdreg $0xFFFFFFFF  }
0xa7: {  	s28 =	simm.s32 $_size_execute0_lowered;
	s3 =	sadd.s32 s3, s5;
	[dreg:$0x0] =	wrdreg $0x0  }
0xa8: {  	s5 =	sshll.u32 s28, $0x1;
	[dreg:$0x2] =	wrdreg s3  }
0xa9: {  	[dreg:$0x3] =	wrdreg s5  }
0xaa: {  	[dreg:$0x4] =	wrdreg $0xC0  }
0xab: {  	_ =	task [dreg:s7], $0x5FFFF  }
0xac: {  	[dreg:$0x1] =	wrdreg $0xFFFFFFFF  }
0xad: {  	[dreg:$0x0] =	wrdreg $0x60  }
0xae: {  	[dreg:$0x2] =	wrdreg s2  }
0xaf: {  	[dreg:$0x3] =	wrdreg s24  }
0xb0: {  	[dreg:$0x4] =	wrdreg $0x41000  }
0xb1: {  	[dreg:$0x5] =	wrdreg $0x9  }
0xb2: {  	_ =	task.clear_ibuf [dreg:s7], $0x6FFFF;
	_ =	strace $0x90000049  }
0xb3: {  	s29 =	simm.s32 $0x9;
	_ =	strace $0x8000004B  }
0xb4: {  	_ =	swait.ge [sflag:s29], $0x1  }
0xb5: {  	[sflag:s29] =	ssyncadd.s32 $0xFFFFFFFF  }
0xb6: {  	_ =	strace $0x9000004B  }
0xb7: {  	_ =	sfence  }
0xb8: {  	s30 =	sld [smem:$0x0];
	_ =	sdelay $0x2  }
0xb9: {  	s31 =	sshll.u32 s1, $0xD;
	s1 =	sshrl.u32 s1, $0x2  }
0xba: {  	s3 =	sand.u32 $0x4000, s31;
	s1 =	sadd.s32 s1, s30  }
0xbb: {  	s0 =	sor.u32 s3, s0;
	s1 =	sshll.u32 s1, $0x11  }
0xbc: {  	s0 =	sor.u32 s1, s0  }
0xbd: {  	s0 =	sadd.s32 $0x8F2B, s0  }
0xbe: {  	[sflag:s0] =	ssyncadd.remote.s32 $0x1  }
0xbf: {  	_ =	sfence.sel $0xFFFF  }
0xc0: {  	[dreg:$0x0] =	wrdreg $0xFFFFFFFF;
	(pc) =	sbr.abs _section_cstart, $3  }
0xc1: {  	[dreg:$0x1] =	wrdreg $0xFFFFFFFF  }
0xc2: {  	_ =	task.clear_ibuf [dreg:s7], $0x2FFFF;
	_ =	strace $0x9FFFFFFF  }
0xc3: {  	(tm) =	ssettm $0x7FFFFFFF  }
tec
execute0_lowered:
.L_overlay_start_1:
0x0: {  	(tag) =	ssettag $0x1  }
0x1: {  	s8 =	rddreg [dreg:$0x0]  }
0x2: {  	s5 =	rddreg [dreg:$0x1]  }
0x3: {  	s2 =	rddreg [dreg:$0x2]  }
0x4: {  	s0 =	rddreg [dreg:$0x3];
	s3 =	simm.s32 $0x0;
	s1 =	stileid.u32  }
0x5: {  	s7 =	srdreg.scid;
	[smem:$0x7FF] =	sst s3  }
0x6: {  	s6 =	sshll.u32 s1, $0x4;
	s7 =	sand.u32 $0x1, s7;
	s10 =	smul.u32 $0x4E200, s1  }
0x7: {  	s11 =	sadd.s32 $0xA9C00, s5;
	s13 =	smul.u32 $0x13C00, s1;
	s29 =	sshll.u32 s1, $0x6  }
0x8: {  	_ =	strace $0x8000004A;
	s4 =	sand.u32 $0x80, s6;
	s28 =	smul.u32 $0x278000, s7  }
0x9: {  	s26 =	ssub.s32 $0x2, s7;
	s15 =	smul.u32 $0x4E200, s7;
	s7 =	sshllo.u32 s7, $0x1  }
0xa: {  	s17 =	sand.u32 $0x70, s6;
	s9 =	sadd.s32 s4, s5;
	s4 =	sadd.s32 $0xB000, s5  }
0xb: {  	s12 =	sshrl.u32 s26, $0x1;
	s10 =	sshrl.u32 s10, $0x2;
	s16 =	smul.u32 $0x13C000, s7  }
0xc: {  	s5 =	sor.u32 $0x1C02, s29;
	s18 =	smul.u32 $0x27100, s7;
	s12 =	ssub.s32 s26, s12  }
0xd: {  	s14 =	sadd.s32 s10, s2;
	s10 =	sadd.s32 s13, s28;
	s6 =	sadd.s32 s8, s15  }
0xe: {  	s31 =	sadd.s32 s17, s9;
	s10 =	sshrl.u32 s10, $0x3;
	s30 =	sadd.s32 s13, s16  }
0xf: {  	s8 =	sadd.s32 s8, s18;
	s7 =	sadd.s32 s11, s10;
	s10 =	sshrl.u32 s30, $0x3  }
0x10: {  	s13 =	sshrl.u32 s14, $0x3;
	s14 =	simm.s32 $0x2;
	s9 =	sadd.s32 s11, s10  }
0x11: {  	s10 =	smax.u32 s12, $0x1;
	s11 =	sadd.s32 $0x5800, s31;
	s12 =	sadd.s32 $0x800, s31  }
.LBB2_1:
0x12: {  	[spmem:s13], [sflag:s5] =	dma.local [hbm:s4], $0x2710  }
0x13: {  	_ =	swait.ge [sflag:s14], $0x2710  }
0x14: {  	p0 =	sgt.u32 s1, $0x4E1;
	[sflag:s14] =	ssyncset.done $0x0  }
0x15: {  	s15 =	sadd.s32 @!p0 $0x0, s11;
	[sflag:s14] =	ssyncadd.s32 $0xFFFFD8F0  }
0x16: {  	s16 =	simm.s32 @!p0 $0x0;
	s17 =	simm.s32 @!p0 $0x3;
	[bflag:$0x0] =	sbarrier.arrive $0xFFFF  }
0x17: {  	[tilespmem:s16], [sflag:$0x3] =	stream.linear.gather @!p0 [hbm4b:s15+s16], $0x80, $0x38;
	[tilespmem:$0x17D80] =	vst v63  }
0x18: {  	p1 =	por p0, p0;
	_ =	swait.ge @!p0 [sflag:s17], $0x80  }
0x19: {  	[sflag:s17] =	ssyncset.done @!p1 $0x0  }
0x1a: {  	s18 =	simm.s32 @!p1 $0x80;
	s15 =	sadd.s32 @!p1 $0x0, s12;
	[sflag:s17] =	ssyncadd.s32 @!p1 $0xFFFFFF80  }
0x1b: {  	[tilespmem:s18], [sflag:$0x3] =	stream.linear.gather @!p1 [hbm4b:s15+s16], $0x80, $0x38;
	[tilespmem:$0x17D80] =	vst v63  }
0x1c: {  	_ =	swait.ge @!p1 [sflag:s17], $0x80  }
0x1d: {  	[sflag:s17] =	ssyncset.done @!p1 $0x0  }
0x1e: {  	s15 =	simm.s32 @!p1 $0x100;
	[sflag:s17] =	ssyncadd.s32 @!p1 $0xFFFFFF80;
	s17 =	simm.s32 @!p1 $0x1  }
0x1f: {  	[tilespmem:s15], [sflag:$0x1] =	stream.indirect.gather @!p1 [hbm4b:s6+s18], $0x80, s16, s18, $0xb8;
	[tilespmem:$0x17D80] =	vst v63  }
0x20: {  	_ =	swait.ge @!p1 [sflag:s17], $0x4000  }
0x21: {  	[sflag:s17] =	ssyncset.done @!p1 $0x0  }
0x22: {  	s16 =	sadd.s32 $0x10, s1;
	[sflag:s17] =	ssyncadd.s32 @!p1 $0xFFFFC000  }
0x23: {  	[spmem:s2] =	stream.indirect.scatter.add.f32 @!p1 [tilespmem:s15], [sflag:$0x2], $0x80, s18, s18, $0xb8;
	[tilespmem:$0x17D80] =	vst v63  }
0x24: {  	p3 =	sgt.u32 s16, $0x4E1;
	s18 =	simm.s32 @!p1 $0x2  }
0x25: {  	s17 =	simm.s32 $0x200;
	s15 =	simm.s32 $0x100;
	_ =	swait.ge @!p1 [sflag:s18], $0x4000  }
.LBB2_2:
0x26: {  	s19 =	sadd.s32 @!p3 s15, s11  }
0x27: {  	s20 =	simm.s32 @!p3 $0x0;
	[sflag:s18] =	ssyncset.done @!p1 $0x0;
	s21 =	smov.u32 s17  }
0x28: {  	s17 =	sadd.s32 $0x100, s17;
	s22 =	simm.s32 @!p3 $0x3;
	[sflag:s18] =	ssyncadd.s32 @!p1 $0xFFFFC000  }
0x29: {  	[tilespmem:s20], [sflag:$0x3] =	stream.linear.gather @!p3 [hbm4b:s19+s20], $0x80, $0x38;
	[tilespmem:$0x17D80] =	vst v63  }
0x2a: {  	p2 =	sne.s32 s17, $0x5000;
	p1 =	por p3, p3;
	_ =	swait.ge @!p3 [sflag:s22], $0x80  }
0x2b: {  	[sflag:s22] =	ssyncset.done @!p1 $0x0  }
0x2c: {  	s15 =	sadd.s32 @!p1 s15, s12;
	s19 =	simm.s32 @!p1 $0x80;
	[sflag:s22] =	ssyncadd.s32 @!p1 $0xFFFFFF80  }
0x2d: {  	[tilespmem:s19], [sflag:$0x3] =	stream.linear.gather @!p1 [hbm4b:s15+s20], $0x80, $0x38;
	[tilespmem:$0x17D80] =	vst v63  }
0x2e: {  	s15 =	smov.u32 s21;
	_ =	swait.ge @!p1 [sflag:s22], $0x80  }
0x2f: {  	[sflag:s22] =	ssyncset.done @!p1 $0x0  }
0x30: {  	s18 =	simm.s32 @!p1 $0x1;
	s21 =	simm.s32 @!p1 $0x100;
	[sflag:s22] =	ssyncadd.s32 @!p1 $0xFFFFFF80  }
0x31: {  	[tilespmem:s21], [sflag:$0x1] =	stream.indirect.gather @!p1 [hbm4b:s6+s19], $0x80, s20, s19, $0xb8;
	[tilespmem:$0x17D80] =	vst v63  }
.Ltmp0:
0x32: {  	_ =	swait.ge @!p1 [sflag:s18], $0x4000;
	(pc) =	sbr.rel @p2 .LBB2_2-.Ltmp0, $4  }
0x33: {  	[sflag:s18] =	ssyncset.done @!p1 $0x0  }
0x34: {  	s16 =	sadd.s32 $0x10, s16;
	[sflag:s18] =	ssyncadd.s32 @!p1 $0xFFFFC000;
	s18 =	simm.s32 @!p1 $0x2  }
0x35: {  	[spmem:s2] =	stream.indirect.scatter.add.f32 @!p1 [tilespmem:s21], [sflag:$0x2], $0x80, s19, s19, $0xb8;
	[tilespmem:$0x17D80] =	vst v63  }
0x36: {  	p3 =	sgt.u32 s16, $0x4E1;
	_ =	swait.ge @!p1 [sflag:s18], $0x4000  }
0x37: {  	s16 =	sadd.s32 @!p3 s15, s11;
	[sflag:s18] =	ssyncset.done @!p1 $0x0  }
0x38: {  	s17 =	simm.s32 @!p3 $0x0;
	s19 =	simm.s32 @!p3 $0x3;
	[sflag:s18] =	ssyncadd.s32 @!p1 $0xFFFFC000  }
0x39: {  	[tilespmem:s17], [sflag:$0x3] =	stream.linear.gather @!p3 [hbm4b:s16+s17], $0x80, $0x38;
	[tilespmem:$0x17D80] =	vst v63  }
0x3a: {  	p1 =	por p3, p3;
	_ =	swait.ge @!p3 [sflag:s19], $0x80  }
0x3b: {  	[sflag:s19] =	ssyncset.done @!p1 $0x0  }
0x3c: {  	s15 =	sadd.s32 @!p1 s15, s12;
	s16 =	simm.s32 @!p1 $0x80;
	[sflag:s19] =	ssyncadd.s32 @!p1 $0xFFFFFF80  }
0x3d: {  	[tilespmem:s16], [sflag:$0x3] =	stream.linear.gather @!p1 [hbm4b:s15+s17], $0x80, $0x38;
	[tilespmem:$0x17D80] =	vst v63  }
0x3e: {  	_ =	swait.ge @!p1 [sflag:s19], $0x80  }
0x3f: {  	[sflag:s19] =	ssyncset.done @!p1 $0x0  }
0x40: {  	s18 =	simm.s32 @!p1 $0x1;
	s15 =	simm.s32 @!p1 $0x100;
	[sflag:s19] =	ssyncadd.s32 @!p1 $0xFFFFFF80  }
0x41: {  	[tilespmem:s15], [sflag:$0x1] =	stream.indirect.gather @!p1 [hbm4b:s6+s16], $0x80, s17, s16, $0xb8;
	[tilespmem:$0x17D80] =	vst v63  }
0x42: {  	_ =	swait.ge @!p1 [sflag:s18], $0x4000  }
0x43: {  	[sflag:s18] =	ssyncset.done @!p1 $0x0  }
0x44: {  	s17 =	simm.s32 @!p1 $0x2;
	[sflag:s18] =	ssyncadd.s32 @!p1 $0xFFFFC000  }
0x45: {  	[spmem:s2] =	stream.indirect.scatter.add.f32 @!p1 [tilespmem:s15], [sflag:$0x2], $0x80, s16, s16, $0xb8;
	[tilespmem:$0x17D80] =	vst v63  }
0x46: {  	_ =	swait.ge @!p1 [sflag:s17], $0x4000  }
0x47: {  	[sflag:s17] =	ssyncset.done @!p1 $0x0  }
0x48: {  	[sflag:s17] =	ssyncadd.s32 @!p1 $0xFFFFC000  }
0x49: {  	[bflag:$0x0] =	sbarrier.arrive $0xFFFF  }
0x4a: {  	[hbm:s7], [sflag:s5] =	dma.local [spmem:s13], $0x2710  }
0x4b: {  	_ =	swait.ge [sflag:s14], $0x2710  }
0x4c: {  	[sflag:s14] =	ssyncset.done $0x0  }
0x4d: {  	[sflag:s14] =	ssyncadd.s32 $0xFFFFD8F0  }
0x4e: {  	[bflag:$0x0] =	sbarrier.arrive $0xFFFF  }
0x4f: {  	[spmem:s13], [sflag:s5] =	dma.local [hbm:s4], $0x2710  }
0x50: {  	_ =	swait.ge [sflag:s14], $0x2710  }
0x51: {  	[sflag:s14] =	ssyncset.done $0x0  }
0x52: {  	s15 =	sadd.s32 @!p0 $0x0, s11;
	[sflag:s14] =	ssyncadd.s32 $0xFFFFD8F0  }
0x53: {  	s16 =	simm.s32 @!p0 $0x0;
	s17 =	simm.s32 @!p0 $0x3;
	[bflag:$0x0] =	sbarrier.arrive $0xFFFF  }
0x54: {  	[tilespmem:s16], [sflag:$0x3] =	stream.linear.gather @!p0 [hbm4b:s15+s16], $0x80, $0x38;
	[tilespmem:$0x17D80] =	vst v63  }
0x55: {  	_ =	swait.ge @!p0 [sflag:s17], $0x80;
	p0 =	por p0, p0  }
0x56: {  	[sflag:s17] =	ssyncset.done @!p0 $0x0  }
0x57: {  	s15 =	sadd.s32 @!p0 $0x0, s12;
	s18 =	simm.s32 @!p0 $0x80;
	[sflag:s17] =	ssyncadd.s32 @!p0 $0xFFFFFF80  }
0x58: {  	[tilespmem:s18], [sflag:$0x3] =	stream.linear.gather @!p0 [hbm4b:s15+s16], $0x80, $0x38;
	[tilespmem:$0x17D80] =	vst v63  }
0x59: {  	_ =	swait.ge @!p0 [sflag:s17], $0x80  }
0x5a: {  	[sflag:s17] =	ssyncset.done @!p0 $0x0  }
0x5b: {  	s15 =	simm.s32 @!p0 $0x100;
	[sflag:s17] =	ssyncadd.s32 @!p0 $0xFFFFFF80;
	s17 =	simm.s32 @!p0 $0x1  }
0x5c: {  	[tilespmem:s15], [sflag:$0x1] =	stream.indirect.gather @!p0 [hbm4b:s8+s18], $0x80, s16, s18, $0xb8;
	[tilespmem:$0x17D80] =	vst v63  }
0x5d: {  	_ =	swait.ge @!p0 [sflag:s17], $0x4000  }
0x5e: {  	[sflag:s17] =	ssyncset.done @!p0 $0x0  }
0x5f: {  	s16 =	sadd.s32 $0x10, s1;
	[sflag:s17] =	ssyncadd.s32 @!p0 $0xFFFFC000  }
0x60: {  	[spmem:s2] =	stream.indirect.scatter.add.f32 @!p0 [tilespmem:s15], [sflag:$0x2], $0x80, s18, s18, $0xb8;
	[tilespmem:$0x17D80] =	vst v63  }
0x61: {  	p2 =	sgt.u32 s16, $0x4E1;
	s18 =	simm.s32 @!p0 $0x2  }
0x62: {  	s17 =	simm.s32 $0x200;
	s15 =	simm.s32 $0x100;
	_ =	swait.ge @!p0 [sflag:s18], $0x4000  }
.LBB2_4:
0x63: {  	s19 =	sadd.s32 @!p2 s15, s11  }
0x64: {  	s20 =	simm.s32 @!p2 $0x0;
	[sflag:s18] =	ssyncset.done @!p0 $0x0;
	s21 =	smov.u32 s17  }
0x65: {  	s17 =	sadd.s32 $0x100, s17;
	s22 =	simm.s32 @!p2 $0x3;
	[sflag:s18] =	ssyncadd.s32 @!p0 $0xFFFFC000  }
0x66: {  	[tilespmem:s20], [sflag:$0x3] =	stream.linear.gather @!p2 [hbm4b:s19+s20], $0x80, $0x38;
	[tilespmem:$0x17D80] =	vst v63  }
0x67: {  	p1 =	sne.s32 s17, $0x5000;
	p0 =	por p2, p2;
	_ =	swait.ge @!p2 [sflag:s22], $0x80  }
0x68: {  	[sflag:s22] =	ssyncset.done @!p0 $0x0  }
0x69: {  	s15 =	sadd.s32 @!p0 s15, s12;
	s19 =	simm.s32 @!p0 $0x80;
	[sflag:s22] =	ssyncadd.s32 @!p0 $0xFFFFFF80  }
0x6a: {  	[tilespmem:s19], [sflag:$0x3] =	stream.linear.gather @!p0 [hbm4b:s15+s20], $0x80, $0x38;
	[tilespmem:$0x17D80] =	vst v63  }
0x6b: {  	s15 =	smov.u32 s21;
	_ =	swait.ge @!p0 [sflag:s22], $0x80  }
0x6c: {  	[sflag:s22] =	ssyncset.done @!p0 $0x0  }
0x6d: {  	s18 =	simm.s32 @!p0 $0x1;
	s21 =	simm.s32 @!p0 $0x100;
	[sflag:s22] =	ssyncadd.s32 @!p0 $0xFFFFFF80  }
0x6e: {  	[tilespmem:s21], [sflag:$0x1] =	stream.indirect.gather @!p0 [hbm4b:s8+s19], $0x80, s20, s19, $0xb8;
	[tilespmem:$0x17D80] =	vst v63  }
.Ltmp1:
0x6f: {  	_ =	swait.ge @!p0 [sflag:s18], $0x4000;
	(pc) =	sbr.rel @p1 .LBB2_4-.Ltmp1, $4  }
0x70: {  	[sflag:s18] =	ssyncset.done @!p0 $0x0  }
0x71: {  	s16 =	sadd.s32 $0x10, s16;
	[sflag:s18] =	ssyncadd.s32 @!p0 $0xFFFFC000;
	s18 =	simm.s32 @!p0 $0x2  }
0x72: {  	[spmem:s2] =	stream.indirect.scatter.add.f32 @!p0 [tilespmem:s21], [sflag:$0x2], $0x80, s19, s19, $0xb8;
	[tilespmem:$0x17D80] =	vst v63  }
0x73: {  	p2 =	sgt.u32 s16, $0x4E1;
	_ =	swait.ge @!p0 [sflag:s18], $0x4000  }
0x74: {  	s16 =	sadd.s32 @!p2 s15, s11;
	[sflag:s18] =	ssyncset.done @!p0 $0x0  }
0x75: {  	s17 =	simm.s32 @!p2 $0x0;
	s19 =	simm.s32 @!p2 $0x3;
	[sflag:s18] =	ssyncadd.s32 @!p0 $0xFFFFC000  }
0x76: {  	[tilespmem:s17], [sflag:$0x3] =	stream.linear.gather @!p2 [hbm4b:s16+s17], $0x80, $0x38;
	[tilespmem:$0x17D80] =	vst v63  }
0x77: {  	p0 =	por p2, p2;
	_ =	swait.ge @!p2 [sflag:s19], $0x80  }
0x78: {  	[sflag:s19] =	ssyncset.done @!p0 $0x0  }
0x79: {  	s15 =	sadd.s32 @!p0 s15, s12;
	s16 =	simm.s32 @!p0 $0x80;
	[sflag:s19] =	ssyncadd.s32 @!p0 $0xFFFFFF80  }
0x7a: {  	[tilespmem:s16], [sflag:$0x3] =	stream.linear.gather @!p0 [hbm4b:s15+s17], $0x80, $0x38;
	[tilespmem:$0x17D80] =	vst v63  }
0x7b: {  	_ =	swait.ge @!p0 [sflag:s19], $0x80  }
0x7c: {  	[sflag:s19] =	ssyncset.done @!p0 $0x0  }
0x7d: {  	s18 =	simm.s32 @!p0 $0x1;
	s15 =	simm.s32 @!p0 $0x100;
	[sflag:s19] =	ssyncadd.s32 @!p0 $0xFFFFFF80  }
0x7e: {  	[tilespmem:s15], [sflag:$0x1] =	stream.indirect.gather @!p0 [hbm4b:s8+s16], $0x80, s17, s16, $0xb8;
	[tilespmem:$0x17D80] =	vst v63  }
0x7f: {  	_ =	swait.ge @!p0 [sflag:s18], $0x4000  }
0x80: {  	[sflag:s18] =	ssyncset.done @!p0 $0x0  }
0x81: {  	s17 =	simm.s32 @!p0 $0x2;
	[sflag:s18] =	ssyncadd.s32 @!p0 $0xFFFFC000  }
0x82: {  	[spmem:s2] =	stream.indirect.scatter.add.f32 @!p0 [tilespmem:s15], [sflag:$0x2], $0x80, s16, s16, $0xb8;
	[tilespmem:$0x17D80] =	vst v63  }
0x83: {  	_ =	swait.ge @!p0 [sflag:s17], $0x4000  }
0x84: {  	[sflag:s17] =	ssyncset.done @!p0 $0x0  }
0x85: {  	s3 =	sadd.s32 $0x1, s3;
	[sflag:s17] =	ssyncadd.s32 @!p0 $0xFFFFC000  }
0x86: {  	p0 =	sne.s32 s3, s10;
	[bflag:$0x0] =	sbarrier.arrive $0xFFFF  }
0x87: {  	[hbm:s9], [sflag:s5] =	dma.local [spmem:s13], $0x2710  }
.Ltmp2:
0x88: {  	_ =	swait.ge [sflag:s14], $0x2710;
	(pc) =	sbr.rel @p0 .LBB2_1-.Ltmp2, $3  }
0x89: {  	[sflag:s14] =	ssyncset.done $0x0  }
0x8a: {  	[sflag:s14] =	ssyncadd.s32 $0xFFFFD8F0  }
0x8b: {  	[bflag:$0x0] =	sbarrier.arrive $0xFFFF;
	_ =	sdelay $0x1  }
0x8c: {  	_ =	sfence.sel $0x180000  }
0x8d: {  	[bflag:$0x0] =	sbarrier.arrive $0xFFFF  }
0x8e: {  	p0 =	sne.s32 s1, $0x0;
	_ =	strace $0x9000004A  }
0x8f: {  	s0 =	sadd.s32 @!p0 $0x100000, s0;
	[bflag:$0x2] =	sbarrier.arrive $0xFFFF  }
0x90: {  	[sflag:s0] =	ssyncadd.tile.s32 @!p0 $0x1;
	_ =	shalt  }
.Lfunc_end2:
_tile_overlayer_lowered:
.L_overlay_start_2:
0x91: {  	(tag) =	ssettag $0x2  }
0x92: {  	s0 =	rddreg [dreg:$0x0];
	s2 =	stileid.u32  }
0x93: {  	s1 =	rddreg [dreg:$0x1];
	p0 =	sne.s32 s2, $0x0  }
0x94: {  	s3 =	rddreg [dreg:$0x2];
	[bflag:$0x3] =	sbarrier.arrive $0xFFFF;
	s2 =	simm.s32 @!p0 $0x1C02  }
0x95: {  	[timem:s3], [sflag:s2] =	dma.local @!p0 [hbm:s0], s1  }
0x96: {  	s0 =	simm.s32 @!p0 $0x2  }
0x97: {  	_ =	swait.ge @!p0 [sflag:s0], s1  }
0x98: {  	s1 =	ssub.s32 @!p0 $0x0, s1;
	[sflag:s0] =	ssyncset.done @!p0 $0x0  }
0x99: {  	[sflag:s0] =	ssyncadd.s32 @!p0 s1  }
0x9a: {  	[bflag:$0x3] =	sbarrier.arrive $0xFFFF  }
0x9b: {  	_ =	shalt  }

</sc_bundles>
